<compile_context>
chip_gen: v7x
topology: tpu7x:2x2x1
jax: 0.10.2.dev20260603
libtpu: 0.0.44.dev20260713+nightly
codegen_flags: <defaults>
</compile_context>

<pallas_src>
import functools

import jax
import jax.numpy as jnp
from jax import lax
from jax.experimental import pallas as pl
from jax.experimental.pallas import tpu as pltpu
from jax.experimental.pallas import tpu_sc as plsc

INP_SIZE = 1000000
HIDDEN = 32
WEIGHTS = (0.1, 0.2, 0.4, 0.2, 0.1)
ROW = 200
RPAD = 208
SPLIT = 96
LANES = 16
N_WORKERS = 32
CBLK = 13312


def _conv_body(prv_ref, cur_ref, nxt_ref, o_ref):
    i = pl.program_id(0)
    n = pl.num_programs(0)
    cur = cur_ref[...]
    w = jnp.concatenate(
        [prv_ref[:, CBLK - 2:], cur, nxt_ref[:, :2]], axis=1
    )
    gcol = lax.broadcasted_iota(jnp.int32, (HIDDEN, CBLK), 1) + i * CBLK
    n_blk = pl.cdiv(INP_SIZE, CBLK)
    last_loc = INP_SIZE - 1 - (n_blk - 1) * CBLK
    shifts = []
    for s in range(5):
        sh = w[:, s:s + CBLK]
        if s < 2:
            sh = jnp.where(gcol + (s - 2) < 0, cur[:, 0:1], sh)
        else:
            sh = jnp.where(
                gcol + (s - 2) > INP_SIZE - 1,
                cur[:, last_loc:last_loc + 1],
                sh,
            )
        shifts.append(sh)
    acc = (
        WEIGHTS[0] * (shifts[0] + shifts[4])
        + WEIGHTS[1] * (shifts[1] + shifts[3])
        + WEIGHTS[2] * shifts[2]
    )
    acc = jnp.where(gcol <= INP_SIZE - 1, acc, 0.0)
    m = jnp.swapaxes(acc, 0, 1)
    ci = lax.broadcasted_iota(jnp.int32, (HIDDEN, 4 * HIDDEN), 0)
    qi = lax.broadcasted_iota(jnp.int32, (HIDDEN, 4 * HIDDEN), 1)
    e_mat = (lax.rem(qi, HIDDEN) == ci).astype(jnp.float32)
    li = lax.broadcasted_iota(jnp.int32, (512, 4 * HIDDEN), 0)
    qj = lax.broadcasted_iota(jnp.int32, (512, 4 * HIDDEN), 1)
    mask = (lax.div(qj, HIDDEN) == lax.rem(li, 4)).astype(jnp.float32)
    ri = lax.broadcasted_iota(jnp.int32, (4 * HIDDEN, 512), 0)
    lj = lax.broadcasted_iota(jnp.int32, (4 * HIDDEN, 512), 1)
    a_mat = (lax.div(lj, 4) == ri).astype(jnp.float32)
    dn = (((1,), (0,)), ((), ()))
    for ch in range(CBLK // 512):
        mc = m[ch * 512:(ch + 1) * 512, :]
        bm = lax.dot_general(
            mc, e_mat, dn, preferred_element_type=jnp.float32
        ) * mask
        oc = lax.dot_general(
            a_mat, bm, dn, preferred_element_type=jnp.float32
        )
        o_ref[pl.ds(ch * 128, 128), :] = oc


def _conv_table(tp):
    n_blk = pl.cdiv(INP_SIZE, CBLK)
    spec = lambda f: pl.BlockSpec((HIDDEN, CBLK), f)
    return pl.pallas_call(
        _conv_body,
        grid=(n_blk,),
        in_specs=[
            spec(lambda j: (0, jnp.maximum(j - 1, 0))),
            spec(lambda j: (0, j)),
            spec(lambda j: (0, jnp.minimum(j + 1, n_blk - 1))),
        ],
        out_specs=pl.BlockSpec((CBLK // 4, 4 * HIDDEN), lambda j: (j, 0)),
        out_shape=jax.ShapeDtypeStruct((INP_SIZE // 4, 4 * HIDDEN), jnp.float32),
    )(tp, tp, tp)


def _gather_body(x_hbm, c_hbm, out_hbm, xall, idxs, outb, sg0, sg1, so):
    n_rows = out_hbm.shape[0]
    rows_per_w = n_rows // N_WORKERS

    wid = lax.axis_index("s") * 2 + lax.axis_index("c")
    r0 = wid * rows_per_w

    pltpu.sync_copy(
        x_hbm.at[pl.ds(r0 * ROW, rows_per_w * ROW)],
        xall.at[pl.ds(0, rows_per_w * ROW)],
    )
    xall[pl.ds(ROW * rows_per_w, LANES)] = jnp.zeros((LANES,), jnp.float32)

    def build_idx(c, slot):
        @plsc.parallel_loop(0, RPAD // LANES)
        def _(v):
            t = xall[pl.ds(c * ROW + v * LANES, LANES)].astype(jnp.int32)
            idxs[slot, pl.ds(v * LANES, LANES)] = jnp.clip(t, 0, INP_SIZE - 1)

    def fire_gathers(slot, sem):
        pltpu.async_copy(
            c_hbm.at[idxs.at[slot, pl.ds(0, SPLIT)]],
            outb.at[slot, pl.ds(0, SPLIT)],
            sem,
        )
        pltpu.async_copy(
            c_hbm.at[idxs.at[slot, pl.ds(SPLIT, RPAD - SPLIT)]],
            outb.at[slot, pl.ds(SPLIT, RPAD - SPLIT)],
            sem,
        )

    def drain_gathers(slot, sem):
        pltpu.make_async_copy(
            c_hbm.at[idxs.at[slot, pl.ds(0, SPLIT)]],
            outb.at[slot, pl.ds(0, SPLIT)],
            sem,
        ).wait()
        pltpu.make_async_copy(
            c_hbm.at[idxs.at[slot, pl.ds(SPLIT, RPAD - SPLIT)]],
            outb.at[slot, pl.ds(SPLIT, RPAD - SPLIT)],
            sem,
        ).wait()

    def wait_out():
        pltpu.make_async_copy(
            outb.at[0, pl.ds(0, ROW)], out_hbm.at[r0], so
        ).wait()

    build_idx(0, 0)
    fire_gathers(0, sg0)

    def pair_body(k, carry):
        c0 = 2 * k
        c1 = c0 + 1

        build_idx(c1, 1)
        fire_gathers(1, sg1)

        drain_gathers(0, sg0)
        pltpu.async_copy(outb.at[0, pl.ds(0, ROW)], out_hbm.at[r0 + c0], so)

        @pl.when(k < rows_per_w // 2 - 1)
        def _():
            build_idx(c0 + 2, 0)

        drain_gathers(1, sg1)
        pltpu.async_copy(outb.at[1, pl.ds(0, ROW)], out_hbm.at[r0 + c1], so)

        wait_out()
        wait_out()

        @pl.when(k < rows_per_w // 2 - 1)
        def _():
            fire_gathers(0, sg0)

        return carry

    lax.fori_loop(0, rows_per_w // 2, pair_body, 0)


def kernel(x, table):
    b, t = x.shape
    rows_per_w = b // N_WORKERS

    c_table = _conv_table(table.T).reshape(INP_SIZE, HIDDEN)

    mesh = plsc.VectorSubcoreMesh(core_axis_name="c", subcore_axis_name="s")
    gather = functools.partial(
        pl.kernel,
        mesh=mesh,
        out_type=jax.ShapeDtypeStruct((b, t, HIDDEN), jnp.float32),
        scratch_types=[
            pltpu.VMEM((rows_per_w * ROW + LANES,), jnp.float32),
            pltpu.VMEM((2, RPAD), jnp.int32),
            pltpu.VMEM((2, RPAD, HIDDEN), jnp.float32),
            pltpu.SemaphoreType.DMA,
            pltpu.SemaphoreType.DMA,
            pltpu.SemaphoreType.DMA,
        ],
        compiler_params=pltpu.CompilerParams(
            use_tc_tiling_on_sc=False, needs_layout_passes=False
        ),
    )(_gather_body)

    xf = x.astype(jnp.float32).reshape(b * t)
    return gather(xf, c_table)

# --- scband reference (transcript-rebuilt; emitter-appended) ---
"""Pipeline reference for scband-conv-embedding3-2164663517776 (READ-ONLY COPY).

The authoritative reference and input builder live on the scoring server;
editing this copy changes nothing except your own understanding.
"""

import jax, jax.numpy as jnp
import numpy as np

INP_SIZE = 1000000
HIDDEN = 32
KERNEL = 5

def setup_inputs(seed: int = 0) -> dict:
    key = jax.random.key(seed)
    k1, k2 = jax.random.split(key)
    x = jax.random.randint(k1, (1024, 200), 0, INP_SIZE)
    table = jax.random.normal(k2, (INP_SIZE, HIDDEN), dtype=jnp.float32)
    return {"x": x, "table": table}

def reference(x, table):
    weights = jnp.array([0.1, 0.2, 0.4, 0.2, 0.1], dtype=jnp.float32)
    shifts = []
    for i in range(-(KERNEL // 2), KERNEL // 2 + 1):
        shifts.append(x + i)
    xs = jnp.stack(shifts, axis=-1)                      # [B, T, K]
    xs = jnp.clip(xs, 0, INP_SIZE - 1)
    emb = jnp.take(table, xs, axis=0)                    # [B, T, K, H]
    emb = jnp.swapaxes(emb, -1, -2)                      # [B, T, H, K]
    out = (emb * weights[None, None, None, :]).sum(-1)   # [B, T, H]
    return out

if __name__ == "__main__":
    import jax
    _d = setup_inputs()
    print(jax.jit(kernel)(*tuple(_d.values())))

</pallas_src>

<mosaic_0001>
#map = affine_map<(d0, d1) -> (0)>
#map1 = affine_map<(d0, d1) -> (0, 0)>
#map2 = affine_map<(d0, d1) -> (0, 0, 0)>
module attributes {stable_mosaic.version = 14 : i64} {
  func.func @_gather_body(%arg0: i32, %arg1: i32, %arg2: memref<204800xf32, #tpu.memory_space<hbm>>, %arg3: memref<1000000x32xf32, #tpu.memory_space<hbm>>, %arg4: memref<1024x200x32xf32, #tpu.memory_space<hbm>>, %arg5: memref<6416xf32, #tpu.memory_space<vmem>>, %arg6: memref<2x208xi32, #tpu.memory_space<vmem>>, %arg7: memref<2x208x32xf32, #tpu.memory_space<vmem>>, %arg8: memref<!tpu.dma_semaphore, #tpu.memory_space<semaphore_mem>>, %arg9: memref<!tpu.dma_semaphore, #tpu.memory_space<semaphore_mem>>, %arg10: memref<!tpu.dma_semaphore, #tpu.memory_space<semaphore_mem>>) attributes {dimension_semantics = [#tpu.dimension_semantics<core_parallel>, #tpu.dimension_semantics<subcore_parallel>], iteration_bounds = array<i64: 2, 16>, scalar_prefetch = 0 : i64, scratch_operands = 6 : i64, tpu.core_type = #tpu.core_type<sc_vector_subcore>, window_params = [{transform_indices = #map}, {transform_indices = #map1}, {transform_indices = #map2}]} {
    %mul3A = arith.constant 2 : i32
    %mul3A_0 = arith.muli %arg1, %mul3A : i32
    %add3A = arith.addi %mul3A_0, %arg0 : i32
    %mul3A_1 = arith.constant 32 : i32
    %mul3A_2 = arith.muli %add3A, %mul3A_1 : i32
    %mul3A_3 = arith.constant 200 : i32
    %mul3A_4 = arith.muli %mul3A_2, %mul3A_3 : i32
    "tpu.region"() ({
      %run_scoped3A = tpu.sem_alloc : memref<!tpu.dma_semaphore, #tpu.memory_space<semaphore_mem>>
      %dma_start3A_37 = arith.constant 0 : i32
      %dma_start3A_38 = tpu.memref_slice %arg5[%dma_start3A_37] : memref<6416xf32, #tpu.memory_space<vmem>> -> memref<6400xf32, #tpu.memory_space<vmem>>
      %dma_start3A_39 = tpu.memref_slice %arg2[%mul3A_4] : memref<204800xf32, #tpu.memory_space<hbm>> -> memref<6400xf32, #tpu.memory_space<hbm>>
      %dma_start3A_40 = arith.constant 0 : i32
      %dma_start3A_41 = tpu.memref_slice %arg5[%dma_start3A_40] : memref<6416xf32, #tpu.memory_space<vmem>> -> memref<6400xf32, #tpu.memory_space<vmem>>
      %dma_start3A_42 = tpu.memref_slice %arg2[%mul3A_4] : memref<204800xf32, #tpu.memory_space<hbm>> -> memref<6400xf32, #tpu.memory_space<hbm>>
      tpu.enqueue_dma source(%dma_start3A_42 : memref<6400xf32, #tpu.memory_space<hbm>>) target(%dma_start3A_41 : memref<6400xf32, #tpu.memory_space<vmem>>) target_semaphore(%run_scoped3A : memref<!tpu.dma_semaphore, #tpu.memory_space<semaphore_mem>>)
      %dma_wait3A = arith.constant 0 : i32
      %dma_wait3A_43 = tpu.memref_slice %arg5[%dma_wait3A] : memref<6416xf32, #tpu.memory_space<vmem>> -> memref<6400xf32, #tpu.memory_space<vmem>>
      %dma_wait3A_44 = tpu.memref_slice %arg2[%mul3A_4] : memref<204800xf32, #tpu.memory_space<hbm>> -> memref<6400xf32, #tpu.memory_space<hbm>>
      %dma_wait3A_45 = arith.constant 0 : i32
      %dma_wait3A_46 = tpu.memref_slice %arg5[%dma_wait3A_45] : memref<6416xf32, #tpu.memory_space<vmem>> -> memref<6400xf32, #tpu.memory_space<vmem>>
      %dma_wait3A_47 = tpu.memref_slice %arg2[%mul3A_4] : memref<204800xf32, #tpu.memory_space<hbm>> -> memref<6400xf32, #tpu.memory_space<hbm>>
      tpu.wait_dma2 semaphore(%run_scoped3A : memref<!tpu.dma_semaphore, #tpu.memory_space<semaphore_mem>>) src(%dma_wait3A_47 : memref<6400xf32, #tpu.memory_space<hbm>>) dst(%dma_wait3A_46 : memref<6400xf32, #tpu.memory_space<vmem>>)
      tpu.yield
    }) : () -> ()
    %broadcast_in_dim3A = arith.constant 0.000000e+00 : f32
    %broadcast_in_dim3A_5 = vector.broadcast %broadcast_in_dim3A : f32 to vector<16xf32>
    %swap3A = arith.constant 6400 : index
    %swap3A_6 = tpu.vector_load %arg5[%swap3A] {strides = array<i32>} : memref<6416xf32, #tpu.memory_space<vmem>>, vector<16xf32>,
    tpu.vector_store %arg5[%swap3A], %broadcast_in_dim3A_5 {strides = array<i32>} : memref<6416xf32, #tpu.memory_space<vmem>>, vector<16xf32>,
    %parallel_loop3A = arith.constant 0 : i32
    %parallel_loop3A_7 = arith.constant 13 : i32
    %parallel_loop3A_8 = arith.constant 1 : i32
    scf.for %parallel_loop3A_37 = %parallel_loop3A to %parallel_loop3A_7 step %parallel_loop3A_8  : i32 {
      %parallel_loop3A_38 = arith.constant 16 : i32
      %parallel_loop3A_39 = arith.muli %parallel_loop3A_37, %parallel_loop3A_38 : i32
      %parallel_loop3A_40 = arith.constant 0 : i32
      %parallel_loop3A_41 = arith.addi %parallel_loop3A_40, %parallel_loop3A_39 : i32
      %parallel_loop3A_42 = arith.index_cast %parallel_loop3A_41 : i32 to index
      %parallel_loop3A_43 = tpu.vector_load %arg5[%parallel_loop3A_42] {strides = array<i32>} : memref<6416xf32, #tpu.memory_space<vmem>>, vector<16xf32>,
      %parallel_loop3A_44 = arith.fptosi %parallel_loop3A_43 : vector<16xf32> to vector<16xi32>
      %parallel_loop3A_45 = arith.constant 0 : i32
      %parallel_loop3A_46 = arith.constant 999999 : i32
      %parallel_loop3A_47 = vector.broadcast %parallel_loop3A_45 : i32 to vector<16xi32>
      %parallel_loop3A_48 = arith.maxsi %parallel_loop3A_47, %parallel_loop3A_44 : vector<16xi32>
      %parallel_loop3A_49 = vector.broadcast %parallel_loop3A_46 : i32 to vector<16xi32>
      %parallel_loop3A_50 = arith.minsi %parallel_loop3A_49, %parallel_loop3A_48 : vector<16xi32>
      %parallel_loop3A_51 = arith.constant 16 : i32
      %parallel_loop3A_52 = arith.muli %parallel_loop3A_37, %parallel_loop3A_51 : i32
      %parallel_loop3A_53 = arith.constant 0 : i32
      %parallel_loop3A_54 = arith.index_cast %parallel_loop3A_53 : i32 to index
      %parallel_loop3A_55 = arith.index_cast %parallel_loop3A_52 : i32 to index
      %parallel_loop3A_56 = tpu.vector_load %arg6[%parallel_loop3A_54, %parallel_loop3A_55] {strides = array<i32>} : memref<2x208xi32, #tpu.memory_space<vmem>>, vector<16xi32>,
      tpu.vector_store %arg6[%parallel_loop3A_54, %parallel_loop3A_55], %parallel_loop3A_50 {strides = array<i32>} : memref<2x208xi32, #tpu.memory_space<vmem>>, vector<16xi32>,
    } {sc.loop_unroll_factor = 1 : i64, sc.parallel_access}
    %dma_start3A = arith.constant 0 : i32
    %dma_start3A_9 = arith.constant 0 : i32
    %dma_start3A_10 = arith.constant 0 : i32
    %dma_start3A_11 = arith.constant 0 : i32
    %dma_start3A_12 = tpu.memref_slice %arg7[%dma_start3A_9, %dma_start3A_10, %dma_start3A_11] : memref<2x208x32xf32, #tpu.memory_space<vmem>> -> memref<1x96x32xf32, #tpu.memory_space<vmem>>
    %dma_start3A_13 = tpu.memref_squeeze %dma_start3A_12 : memref<1x96x32xf32, #tpu.memory_space<vmem>> -> memref<96x32xf32, #tpu.memory_space<vmem>>
    %dma_start3A_14 = arith.constant 0 : i32
    %dma_start3A_15 = tpu.memref_slice %arg6[%dma_start3A, %dma_start3A_14] : memref<2x208xi32, #tpu.memory_space<vmem>> -> memref<1x96xi32, #tpu.memory_space<vmem>>
    %dma_start3A_16 = tpu.memref_squeeze %dma_start3A_15 : memref<1x96xi32, #tpu.memory_space<vmem>> -> memref<96xi32, #tpu.memory_space<vmem>>
    %dma_start3A_17 = arith.constant 0 : i32
    %dma_start3A_18 = arith.constant 0 : i32
    %dma_start3A_19 = tpu.memref_slice %arg3[%dma_start3A_17, %dma_start3A_18] : memref<1000000x32xf32, #tpu.memory_space<hbm>> -> memref<1000000x32xf32, #tpu.memory_space<hbm>>
    tpu.enqueue_indirect_dma source(%dma_start3A_19 : memref<1000000x32xf32, #tpu.memory_space<hbm>>) target(%dma_start3A_13 : memref<96x32xf32, #tpu.memory_space<vmem>>) offsets(%dma_start3A_16 : memref<96xi32, #tpu.memory_space<vmem>>) semaphore(%arg8 : memref<!tpu.dma_semaphore, #tpu.memory_space<semaphore_mem>>)
    %dma_start3A_20 = arith.constant 0 : i32
    %dma_start3A_21 = arith.constant 0 : i32
    %dma_start3A_22 = arith.constant 96 : i32
    %dma_start3A_23 = arith.constant 0 : i32
    %dma_start3A_24 = tpu.memref_slice %arg7[%dma_start3A_21, %dma_start3A_22, %dma_start3A_23] : memref<2x208x32xf32, #tpu.memory_space<vmem>> -> memref<1x112x32xf32, #tpu.memory_space<vmem>>
    %dma_start3A_25 = tpu.memref_squeeze %dma_start3A_24 : memref<1x112x32xf32, #tpu.memory_space<vmem>> -> memref<112x32xf32, #tpu.memory_space<vmem>>
    %dma_start3A_26 = arith.constant 96 : i32
    %dma_start3A_27 = tpu.memref_slice %arg6[%dma_start3A_20, %dma_start3A_26] : memref<2x208xi32, #tpu.memory_space<vmem>> -> memref<1x112xi32, #tpu.memory_space<vmem>>
    %dma_start3A_28 = tpu.memref_squeeze %dma_start3A_27 : memref<1x112xi32, #tpu.memory_space<vmem>> -> memref<112xi32, #tpu.memory_space<vmem>>
    %dma_start3A_29 = arith.constant 0 : i32
    %dma_start3A_30 = arith.constant 0 : i32
    %dma_start3A_31 = tpu.memref_slice %arg3[%dma_start3A_29, %dma_start3A_30] : memref<1000000x32xf32, #tpu.memory_space<hbm>> -> memref<1000000x32xf32, #tpu.memory_space<hbm>>
    tpu.enqueue_indirect_dma source(%dma_start3A_31 : memref<1000000x32xf32, #tpu.memory_space<hbm>>) target(%dma_start3A_25 : memref<112x32xf32, #tpu.memory_space<vmem>>) offsets(%dma_start3A_28 : memref<112xi32, #tpu.memory_space<vmem>>) semaphore(%arg8 : memref<!tpu.dma_semaphore, #tpu.memory_space<semaphore_mem>>)
    %scan3A = arith.constant 0 : i32
    %scan3A_32 = arith.constant 0 : i32
    %scan3A_33 = arith.constant 16 : i32
    %scan3A_34 = arith.addi %scan3A_32, %scan3A_33 : i32
    %scan3A_35 = arith.constant 1 : i32
    scf.for %scan3A_37 = %scan3A_32 to %scan3A_34 step %scan3A_35  : i32 {
      %mul3A_38 = arith.constant 2 : i32
      %mul3A_39 = arith.muli %mul3A_38, %scan3A_37 : i32
      %add3A_40 = arith.constant 1 : i32
      %add3A_41 = arith.addi %mul3A_39, %add3A_40 : i32
      %parallel_loop3A_42 = arith.constant 0 : i32
      %parallel_loop3A_43 = arith.constant 13 : i32
      %parallel_loop3A_44 = arith.constant 1 : i32
      scf.for %parallel_loop3A_193 = %parallel_loop3A_42 to %parallel_loop3A_43 step %parallel_loop3A_44  : i32 {
        %parallel_loop3A_194 = arith.constant 200 : i32
        %parallel_loop3A_195 = arith.muli %add3A_41, %parallel_loop3A_194 : i32
        %parallel_loop3A_196 = arith.constant 16 : i32
        %parallel_loop3A_197 = arith.muli %parallel_loop3A_193, %parallel_loop3A_196 : i32
        %parallel_loop3A_198 = arith.addi %parallel_loop3A_195, %parallel_loop3A_197 : i32
        %parallel_loop3A_199 = arith.index_cast %parallel_loop3A_198 : i32 to index
        %parallel_loop3A_200 = tpu.vector_load %arg5[%parallel_loop3A_199] {strides = array<i32>} : memref<6416xf32, #tpu.memory_space<vmem>>, vector<16xf32>,
        %parallel_loop3A_201 = arith.fptosi %parallel_loop3A_200 : vector<16xf32> to vector<16xi32>
        %parallel_loop3A_202 = arith.constant 0 : i32
        %parallel_loop3A_203 = arith.constant 999999 : i32
        %parallel_loop3A_204 = vector.broadcast %parallel_loop3A_202 : i32 to vector<16xi32>
        %parallel_loop3A_205 = arith.maxsi %parallel_loop3A_204, %parallel_loop3A_201 : vector<16xi32>
        %parallel_loop3A_206 = vector.broadcast %parallel_loop3A_203 : i32 to vector<16xi32>
        %parallel_loop3A_207 = arith.minsi %parallel_loop3A_206, %parallel_loop3A_205 : vector<16xi32>
        %parallel_loop3A_208 = arith.constant 16 : i32
        %parallel_loop3A_209 = arith.muli %parallel_loop3A_193, %parallel_loop3A_208 : i32
        %parallel_loop3A_210 = arith.constant 1 : i32
        %parallel_loop3A_211 = arith.index_cast %parallel_loop3A_210 : i32 to index
        %parallel_loop3A_212 = arith.index_cast %parallel_loop3A_209 : i32 to index
        %parallel_loop3A_213 = tpu.vector_load %arg6[%parallel_loop3A_211, %parallel_loop3A_212] {strides = array<i32>} : memref<2x208xi32, #tpu.memory_space<vmem>>, vector<16xi32>,
        tpu.vector_store %arg6[%parallel_loop3A_211, %parallel_loop3A_212], %parallel_loop3A_207 {strides = array<i32>} : memref<2x208xi32, #tpu.memory_space<vmem>>, vector<16xi32>,
      } {sc.loop_unroll_factor = 1 : i64, sc.parallel_access}
      %dma_start3A_45 = arith.constant 1 : i32
      %dma_start3A_46 = arith.constant 1 : i32
      %dma_start3A_47 = arith.constant 0 : i32
      %dma_start3A_48 = arith.constant 0 : i32
      %dma_start3A_49 = tpu.memref_slice %arg7[%dma_start3A_46, %dma_start3A_47, %dma_start3A_48] : memref<2x208x32xf32, #tpu.memory_space<vmem>> -> memref<1x96x32xf32, #tpu.memory_space<vmem>>
      %dma_start3A_50 = tpu.memref_squeeze %dma_start3A_49 : memref<1x96x32xf32, #tpu.memory_space<vmem>> -> memref<96x32xf32, #tpu.memory_space<vmem>>
      %dma_start3A_51 = arith.constant 0 : i32
      %dma_start3A_52 = tpu.memref_slice %arg6[%dma_start3A_45, %dma_start3A_51] : memref<2x208xi32, #tpu.memory_space<vmem>> -> memref<1x96xi32, #tpu.memory_space<vmem>>
      %dma_start3A_53 = tpu.memref_squeeze %dma_start3A_52 : memref<1x96xi32, #tpu.memory_space<vmem>> -> memref<96xi32, #tpu.memory_space<vmem>>
      %dma_start3A_54 = arith.constant 0 : i32
      %dma_start3A_55 = arith.constant 0 : i32
      %dma_start3A_56 = tpu.memref_slice %arg3[%dma_start3A_54, %dma_start3A_55] : memref<1000000x32xf32, #tpu.memory_space<hbm>> -> memref<1000000x32xf32, #tpu.memory_space<hbm>>
      tpu.enqueue_indirect_dma source(%dma_start3A_56 : memref<1000000x32xf32, #tpu.memory_space<hbm>>) target(%dma_start3A_50 : memref<96x32xf32, #tpu.memory_space<vmem>>) offsets(%dma_start3A_53 : memref<96xi32, #tpu.memory_space<vmem>>) semaphore(%arg9 : memref<!tpu.dma_semaphore, #tpu.memory_space<semaphore_mem>>)
      %dma_start3A_57 = arith.constant 1 : i32
      %dma_start3A_58 = arith.constant 1 : i32
      %dma_start3A_59 = arith.constant 96 : i32
      %dma_start3A_60 = arith.constant 0 : i32
      %dma_start3A_61 = tpu.memref_slice %arg7[%dma_start3A_58, %dma_start3A_59, %dma_start3A_60] : memref<2x208x32xf32, #tpu.memory_space<vmem>> -> memref<1x112x32xf32, #tpu.memory_space<vmem>>
      %dma_start3A_62 = tpu.memref_squeeze %dma_start3A_61 : memref<1x112x32xf32, #tpu.memory_space<vmem>> -> memref<112x32xf32, #tpu.memory_space<vmem>>
      %dma_start3A_63 = arith.constant 96 : i32
      %dma_start3A_64 = tpu.memref_slice %arg6[%dma_start3A_57, %dma_start3A_63] : memref<2x208xi32, #tpu.memory_space<vmem>> -> memref<1x112xi32, #tpu.memory_space<vmem>>
      %dma_start3A_65 = tpu.memref_squeeze %dma_start3A_64 : memref<1x112xi32, #tpu.memory_space<vmem>> -> memref<112xi32, #tpu.memory_space<vmem>>
      %dma_start3A_66 = arith.constant 0 : i32
      %dma_start3A_67 = arith.constant 0 : i32
      %dma_start3A_68 = tpu.memref_slice %arg3[%dma_start3A_66, %dma_start3A_67] : memref<1000000x32xf32, #tpu.memory_space<hbm>> -> memref<1000000x32xf32, #tpu.memory_space<hbm>>
      tpu.enqueue_indirect_dma source(%dma_start3A_68 : memref<1000000x32xf32, #tpu.memory_space<hbm>>) target(%dma_start3A_62 : memref<112x32xf32, #tpu.memory_space<vmem>>) offsets(%dma_start3A_65 : memref<112xi32, #tpu.memory_space<vmem>>) semaphore(%arg9 : memref<!tpu.dma_semaphore, #tpu.memory_space<semaphore_mem>>)
      %dma_wait3A = arith.constant 0 : i32
      %dma_wait3A_69 = arith.constant 0 : i32
      %dma_wait3A_70 = arith.constant 0 : i32
      %dma_wait3A_71 = arith.constant 0 : i32
      %dma_wait3A_72 = tpu.memref_slice %arg7[%dma_wait3A_69, %dma_wait3A_70, %dma_wait3A_71] : memref<2x208x32xf32, #tpu.memory_space<vmem>> -> memref<1x96x32xf32, #tpu.memory_space<vmem>>
      %dma_wait3A_73 = tpu.memref_squeeze %dma_wait3A_72 : memref<1x96x32xf32, #tpu.memory_space<vmem>> -> memref<96x32xf32, #tpu.memory_space<vmem>>
      %dma_wait3A_74 = arith.constant 0 : i32
      %dma_wait3A_75 = tpu.memref_slice %arg6[%dma_wait3A, %dma_wait3A_74] : memref<2x208xi32, #tpu.memory_space<vmem>> -> memref<1x96xi32, #tpu.memory_space<vmem>>
      %dma_wait3A_76 = tpu.memref_squeeze %dma_wait3A_75 : memref<1x96xi32, #tpu.memory_space<vmem>> -> memref<96xi32, #tpu.memory_space<vmem>>
      %dma_wait3A_77 = arith.constant 0 : i32
      %dma_wait3A_78 = arith.constant 0 : i32
      %dma_wait3A_79 = tpu.memref_slice %arg3[%dma_wait3A_77, %dma_wait3A_78] : memref<1000000x32xf32, #tpu.memory_space<hbm>> -> memref<1000000x32xf32, #tpu.memory_space<hbm>>
      tpu.wait_indirect_dma semaphore(%arg8 : memref<!tpu.dma_semaphore, #tpu.memory_space<semaphore_mem>>) src(%dma_wait3A_79 : memref<1000000x32xf32, #tpu.memory_space<hbm>>) dst(%dma_wait3A_73 : memref<96x32xf32, #tpu.memory_space<vmem>>)
      %dma_wait3A_80 = arith.constant 0 : i32
      %dma_wait3A_81 = arith.constant 0 : i32
      %dma_wait3A_82 = arith.constant 96 : i32
      %dma_wait3A_83 = arith.constant 0 : i32
      %dma_wait3A_84 = tpu.memref_slice %arg7[%dma_wait3A_81, %dma_wait3A_82, %dma_wait3A_83] : memref<2x208x32xf32, #tpu.memory_space<vmem>> -> memref<1x112x32xf32, #tpu.memory_space<vmem>>
      %dma_wait3A_85 = tpu.memref_squeeze %dma_wait3A_84 : memref<1x112x32xf32, #tpu.memory_space<vmem>> -> memref<112x32xf32, #tpu.memory_space<vmem>>
      %dma_wait3A_86 = arith.constant 96 : i32
      %dma_wait3A_87 = tpu.memref_slice %arg6[%dma_wait3A_80, %dma_wait3A_86] : memref<2x208xi32, #tpu.memory_space<vmem>> -> memref<1x112xi32, #tpu.memory_space<vmem>>
      %dma_wait3A_88 = tpu.memref_squeeze %dma_wait3A_87 : memref<1x112xi32, #tpu.memory_space<vmem>> -> memref<112xi32, #tpu.memory_space<vmem>>
      %dma_wait3A_89 = arith.constant 0 : i32
      %dma_wait3A_90 = arith.constant 0 : i32
      %dma_wait3A_91 = tpu.memref_slice %arg3[%dma_wait3A_89, %dma_wait3A_90] : memref<1000000x32xf32, #tpu.memory_space<hbm>> -> memref<1000000x32xf32, #tpu.memory_space<hbm>>
      tpu.wait_indirect_dma semaphore(%arg8 : memref<!tpu.dma_semaphore, #tpu.memory_space<semaphore_mem>>) src(%dma_wait3A_91 : memref<1000000x32xf32, #tpu.memory_space<hbm>>) dst(%dma_wait3A_85 : memref<112x32xf32, #tpu.memory_space<vmem>>)
      %add3A_92 = arith.addi %mul3A_2, %mul3A_39 : i32
      %dma_start3A_93 = arith.constant 0 : i32
      %dma_start3A_94 = arith.constant 0 : i32
      %dma_start3A_95 = arith.constant 0 : i32
      %dma_start3A_96 = tpu.memref_slice %arg7[%dma_start3A_93, %dma_start3A_94, %dma_start3A_95] : memref<2x208x32xf32, #tpu.memory_space<vmem>> -> memref<1x200x32xf32, #tpu.memory_space<vmem>>
      %dma_start3A_97 = tpu.memref_squeeze %dma_start3A_96 : memref<1x200x32xf32, #tpu.memory_space<vmem>> -> memref<200x32xf32, #tpu.memory_space<vmem>>
      %dma_start3A_98 = arith.constant 0 : i32
      %dma_start3A_99 = arith.constant 0 : i32
      %dma_start3A_100 = tpu.memref_slice %arg4[%add3A_92, %dma_start3A_98, %dma_start3A_99] : memref<1024x200x32xf32, #tpu.memory_space<hbm>> -> memref<1x200x32xf32, #tpu.memory_space<hbm>>
      %dma_start3A_101 = tpu.memref_squeeze %dma_start3A_100 : memref<1x200x32xf32, #tpu.memory_space<hbm>> -> memref<200x32xf32, #tpu.memory_space<hbm>>
      %dma_start3A_102 = arith.constant 0 : i32
      %dma_start3A_103 = arith.constant 0 : i32
      %dma_start3A_104 = tpu.memref_slice %arg4[%add3A_92, %dma_start3A_102, %dma_start3A_103] : memref<1024x200x32xf32, #tpu.memory_space<hbm>> -> memref<1x200x32xf32, #tpu.memory_space<hbm>>
      %dma_start3A_105 = tpu.memref_squeeze %dma_start3A_104 : memref<1x200x32xf32, #tpu.memory_space<hbm>> -> memref<200x32xf32, #tpu.memory_space<hbm>>
      %dma_start3A_106 = arith.constant 0 : i32
      %dma_start3A_107 = arith.constant 0 : i32
      %dma_start3A_108 = tpu.memref_slice %arg7[%dma_start3A_93, %dma_start3A_106, %dma_start3A_107] : memref<2x208x32xf32, #tpu.memory_space<vmem>> -> memref<1x200x32xf32, #tpu.memory_space<vmem>>
      %dma_start3A_109 = tpu.memref_squeeze %dma_start3A_108 : memref<1x200x32xf32, #tpu.memory_space<vmem>> -> memref<200x32xf32, #tpu.memory_space<vmem>>
      tpu.enqueue_dma source(%dma_start3A_109 : memref<200x32xf32, #tpu.memory_space<vmem>>) target(%dma_start3A_105 : memref<200x32xf32, #tpu.memory_space<hbm>>) target_semaphore(%arg10 : memref<!tpu.dma_semaphore, #tpu.memory_space<semaphore_mem>>)
      %lt3A = arith.constant 15 : i32
      %lt3A_110 = arith.cmpi slt, %scan3A_37, %lt3A : i32
      %convert_element_type3A = arith.extui %lt3A_110 : i1 to i32
      %cond3A = arith.constant 0 : i32
      %cond3A_111 = arith.cmpi ne, %convert_element_type3A, %cond3A : i32
      scf.if %cond3A_111 {
        %add3A_193 = arith.constant 2 : i32
        %add3A_194 = arith.addi %mul3A_39, %add3A_193 : i32
        %parallel_loop3A_195 = arith.constant 0 : i32
        %parallel_loop3A_196 = arith.constant 13 : i32
        %parallel_loop3A_197 = arith.constant 1 : i32
        scf.for %parallel_loop3A_198 = %parallel_loop3A_195 to %parallel_loop3A_196 step %parallel_loop3A_197  : i32 {
          %parallel_loop3A_199 = arith.constant 200 : i32
          %parallel_loop3A_200 = arith.muli %add3A_194, %parallel_loop3A_199 : i32
          %parallel_loop3A_201 = arith.constant 16 : i32
          %parallel_loop3A_202 = arith.muli %parallel_loop3A_198, %parallel_loop3A_201 : i32
          %parallel_loop3A_203 = arith.addi %parallel_loop3A_200, %parallel_loop3A_202 : i32
          %parallel_loop3A_204 = arith.index_cast %parallel_loop3A_203 : i32 to index
          %parallel_loop3A_205 = tpu.vector_load %arg5[%parallel_loop3A_204] {strides = array<i32>} : memref<6416xf32, #tpu.memory_space<vmem>>, vector<16xf32>,
          %parallel_loop3A_206 = arith.fptosi %parallel_loop3A_205 : vector<16xf32> to vector<16xi32>
          %parallel_loop3A_207 = arith.constant 0 : i32
          %parallel_loop3A_208 = arith.constant 999999 : i32
          %parallel_loop3A_209 = vector.broadcast %parallel_loop3A_207 : i32 to vector<16xi32>
          %parallel_loop3A_210 = arith.maxsi %parallel_loop3A_209, %parallel_loop3A_206 : vector<16xi32>
          %parallel_loop3A_211 = vector.broadcast %parallel_loop3A_208 : i32 to vector<16xi32>
          %parallel_loop3A_212 = arith.minsi %parallel_loop3A_211, %parallel_loop3A_210 : vector<16xi32>
          %parallel_loop3A_213 = arith.constant 16 : i32
          %parallel_loop3A_214 = arith.muli %parallel_loop3A_198, %parallel_loop3A_213 : i32
          %parallel_loop3A_215 = arith.constant 0 : i32
          %parallel_loop3A_216 = arith.index_cast %parallel_loop3A_215 : i32 to index
          %parallel_loop3A_217 = arith.index_cast %parallel_loop3A_214 : i32 to index
          %parallel_loop3A_218 = tpu.vector_load %arg6[%parallel_loop3A_216, %parallel_loop3A_217] {strides = array<i32>} : memref<2x208xi32, #tpu.memory_space<vmem>>, vector<16xi32>,
          tpu.vector_store %arg6[%parallel_loop3A_216, %parallel_loop3A_217], %parallel_loop3A_212 {strides = array<i32>} : memref<2x208xi32, #tpu.memory_space<vmem>>, vector<16xi32>,
        } {sc.loop_unroll_factor = 1 : i64, sc.parallel_access}
      } else {
      }
      %dma_wait3A_112 = arith.constant 1 : i32
      %dma_wait3A_113 = arith.constant 1 : i32
      %dma_wait3A_114 = arith.constant 0 : i32
      %dma_wait3A_115 = arith.constant 0 : i32
      %dma_wait3A_116 = tpu.memref_slice %arg7[%dma_wait3A_113, %dma_wait3A_114, %dma_wait3A_115] : memref<2x208x32xf32, #tpu.memory_space<vmem>> -> memref<1x96x32xf32, #tpu.memory_space<vmem>>
      %dma_wait3A_117 = tpu.memref_squeeze %dma_wait3A_116 : memref<1x96x32xf32, #tpu.memory_space<vmem>> -> memref<96x32xf32, #tpu.memory_space<vmem>>
      %dma_wait3A_118 = arith.constant 0 : i32
      %dma_wait3A_119 = tpu.memref_slice %arg6[%dma_wait3A_112, %dma_wait3A_118] : memref<2x208xi32, #tpu.memory_space<vmem>> -> memref<1x96xi32, #tpu.memory_space<vmem>>
      %dma_wait3A_120 = tpu.memref_squeeze %dma_wait3A_119 : memref<1x96xi32, #tpu.memory_space<vmem>> -> memref<96xi32, #tpu.memory_space<vmem>>
      %dma_wait3A_121 = arith.constant 0 : i32
      %dma_wait3A_122 = arith.constant 0 : i32
      %dma_wait3A_123 = tpu.memref_slice %arg3[%dma_wait3A_121, %dma_wait3A_122] : memref<1000000x32xf32, #tpu.memory_space<hbm>> -> memref<1000000x32xf32, #tpu.memory_space<hbm>>
      tpu.wait_indirect_dma semaphore(%arg9 : memref<!tpu.dma_semaphore, #tpu.memory_space<semaphore_mem>>) src(%dma_wait3A_123 : memref<1000000x32xf32, #tpu.memory_space<hbm>>) dst(%dma_wait3A_117 : memref<96x32xf32, #tpu.memory_space<vmem>>)
      %dma_wait3A_124 = arith.constant 1 : i32
      %dma_wait3A_125 = arith.constant 1 : i32
      %dma_wait3A_126 = arith.constant 96 : i32
      %dma_wait3A_127 = arith.constant 0 : i32
      %dma_wait3A_128 = tpu.memref_slice %arg7[%dma_wait3A_125, %dma_wait3A_126, %dma_wait3A_127] : memref<2x208x32xf32, #tpu.memory_space<vmem>> -> memref<1x112x32xf32, #tpu.memory_space<vmem>>
      %dma_wait3A_129 = tpu.memref_squeeze %dma_wait3A_128 : memref<1x112x32xf32, #tpu.memory_space<vmem>> -> memref<112x32xf32, #tpu.memory_space<vmem>>
      %dma_wait3A_130 = arith.constant 96 : i32
      %dma_wait3A_131 = tpu.memref_slice %arg6[%dma_wait3A_124, %dma_wait3A_130] : memref<2x208xi32, #tpu.memory_space<vmem>> -> memref<1x112xi32, #tpu.memory_space<vmem>>
      %dma_wait3A_132 = tpu.memref_squeeze %dma_wait3A_131 : memref<1x112xi32, #tpu.memory_space<vmem>> -> memref<112xi32, #tpu.memory_space<vmem>>
      %dma_wait3A_133 = arith.constant 0 : i32
      %dma_wait3A_134 = arith.constant 0 : i32
      %dma_wait3A_135 = tpu.memref_slice %arg3[%dma_wait3A_133, %dma_wait3A_134] : memref<1000000x32xf32, #tpu.memory_space<hbm>> -> memref<1000000x32xf32, #tpu.memory_space<hbm>>
      tpu.wait_indirect_dma semaphore(%arg9 : memref<!tpu.dma_semaphore, #tpu.memory_space<semaphore_mem>>) src(%dma_wait3A_135 : memref<1000000x32xf32, #tpu.memory_space<hbm>>) dst(%dma_wait3A_129 : memref<112x32xf32, #tpu.memory_space<vmem>>)
      %add3A_136 = arith.addi %mul3A_2, %add3A_41 : i32
      %dma_start3A_137 = arith.constant 1 : i32
      %dma_start3A_138 = arith.constant 0 : i32
      %dma_start3A_139 = arith.constant 0 : i32
      %dma_start3A_140 = tpu.memref_slice %arg7[%dma_start3A_137, %dma_start3A_138, %dma_start3A_139] : memref<2x208x32xf32, #tpu.memory_space<vmem>> -> memref<1x200x32xf32, #tpu.memory_space<vmem>>
      %dma_start3A_141 = tpu.memref_squeeze %dma_start3A_140 : memref<1x200x32xf32, #tpu.memory_space<vmem>> -> memref<200x32xf32, #tpu.memory_space<vmem>>
      %dma_start3A_142 = arith.constant 0 : i32
      %dma_start3A_143 = arith.constant 0 : i32
      %dma_start3A_144 = tpu.memref_slice %arg4[%add3A_136, %dma_start3A_142, %dma_start3A_143] : memref<1024x200x32xf32, #tpu.memory_space<hbm>> -> memref<1x200x32xf32, #tpu.memory_space<hbm>>
      %dma_start3A_145 = tpu.memref_squeeze %dma_start3A_144 : memref<1x200x32xf32, #tpu.memory_space<hbm>> -> memref<200x32xf32, #tpu.memory_space<hbm>>
      %dma_start3A_146 = arith.constant 0 : i32
      %dma_start3A_147 = arith.constant 0 : i32
      %dma_start3A_148 = tpu.memref_slice %arg4[%add3A_136, %dma_start3A_146, %dma_start3A_147] : memref<1024x200x32xf32, #tpu.memory_space<hbm>> -> memref<1x200x32xf32, #tpu.memory_space<hbm>>
      %dma_start3A_149 = tpu.memref_squeeze %dma_start3A_148 : memref<1x200x32xf32, #tpu.memory_space<hbm>> -> memref<200x32xf32, #tpu.memory_space<hbm>>
      %dma_start3A_150 = arith.constant 0 : i32
      %dma_start3A_151 = arith.constant 0 : i32
      %dma_start3A_152 = tpu.memref_slice %arg7[%dma_start3A_137, %dma_start3A_150, %dma_start3A_151] : memref<2x208x32xf32, #tpu.memory_space<vmem>> -> memref<1x200x32xf32, #tpu.memory_space<vmem>>
      %dma_start3A_153 = tpu.memref_squeeze %dma_start3A_152 : memref<1x200x32xf32, #tpu.memory_space<vmem>> -> memref<200x32xf32, #tpu.memory_space<vmem>>
      tpu.enqueue_dma source(%dma_start3A_153 : memref<200x32xf32, #tpu.memory_space<vmem>>) target(%dma_start3A_149 : memref<200x32xf32, #tpu.memory_space<hbm>>) target_semaphore(%arg10 : memref<!tpu.dma_semaphore, #tpu.memory_space<semaphore_mem>>)
      %dma_wait3A_154 = arith.constant 0 : i32
      %dma_wait3A_155 = arith.constant 0 : i32
      %dma_wait3A_156 = arith.constant 0 : i32
      %dma_wait3A_157 = tpu.memref_slice %arg7[%dma_wait3A_154, %dma_wait3A_155, %dma_wait3A_156] : memref<2x208x32xf32, #tpu.memory_space<vmem>> -> memref<1x200x32xf32, #tpu.memory_space<vmem>>
      %dma_wait3A_158 = tpu.memref_squeeze %dma_wait3A_157 : memref<1x200x32xf32, #tpu.memory_space<vmem>> -> memref<200x32xf32, #tpu.memory_space<vmem>>
      %dma_wait3A_159 = arith.constant 0 : i32
      %dma_wait3A_160 = arith.constant 0 : i32
      %dma_wait3A_161 = tpu.memref_slice %arg4[%mul3A_2, %dma_wait3A_159, %dma_wait3A_160] : memref<1024x200x32xf32, #tpu.memory_space<hbm>> -> memref<1x200x32xf32, #tpu.memory_space<hbm>>
      %dma_wait3A_162 = tpu.memref_squeeze %dma_wait3A_161 : memref<1x200x32xf32, #tpu.memory_space<hbm>> -> memref<200x32xf32, #tpu.memory_space<hbm>>
      %dma_wait3A_163 = arith.constant 0 : i32
      %dma_wait3A_164 = arith.constant 0 : i32
      %dma_wait3A_165 = tpu.memref_slice %arg4[%mul3A_2, %dma_wait3A_163, %dma_wait3A_164] : memref<1024x200x32xf32, #tpu.memory_space<hbm>> -> memref<1x200x32xf32, #tpu.memory_space<hbm>>
      %dma_wait3A_166 = tpu.memref_squeeze %dma_wait3A_165 : memref<1x200x32xf32, #tpu.memory_space<hbm>> -> memref<200x32xf32, #tpu.memory_space<hbm>>
      %dma_wait3A_167 = arith.constant 0 : i32
      %dma_wait3A_168 = arith.constant 0 : i32
      %dma_wait3A_169 = tpu.memref_slice %arg7[%dma_wait3A_154, %dma_wait3A_167, %dma_wait3A_168] : memref<2x208x32xf32, #tpu.memory_space<vmem>> -> memref<1x200x32xf32, #tpu.memory_space<vmem>>
      %dma_wait3A_170 = tpu.memref_squeeze %dma_wait3A_169 : memref<1x200x32xf32, #tpu.memory_space<vmem>> -> memref<200x32xf32, #tpu.memory_space<vmem>>
      tpu.wait_dma2 semaphore(%arg10 : memref<!tpu.dma_semaphore, #tpu.memory_space<semaphore_mem>>) src(%dma_wait3A_170 : memref<200x32xf32, #tpu.memory_space<vmem>>) dst(%dma_wait3A_166 : memref<200x32xf32, #tpu.memory_space<hbm>>)
      %dma_wait3A_171 = arith.constant 0 : i32
      %dma_wait3A_172 = arith.constant 0 : i32
      %dma_wait3A_173 = arith.constant 0 : i32
      %dma_wait3A_174 = tpu.memref_slice %arg7[%dma_wait3A_171, %dma_wait3A_172, %dma_wait3A_173] : memref<2x208x32xf32, #tpu.memory_space<vmem>> -> memref<1x200x32xf32, #tpu.memory_space<vmem>>
      %dma_wait3A_175 = tpu.memref_squeeze %dma_wait3A_174 : memref<1x200x32xf32, #tpu.memory_space<vmem>> -> memref<200x32xf32, #tpu.memory_space<vmem>>
      %dma_wait3A_176 = arith.constant 0 : i32
      %dma_wait3A_177 = arith.constant 0 : i32
      %dma_wait3A_178 = tpu.memref_slice %arg4[%mul3A_2, %dma_wait3A_176, %dma_wait3A_177] : memref<1024x200x32xf32, #tpu.memory_space<hbm>> -> memref<1x200x32xf32, #tpu.memory_space<hbm>>
      %dma_wait3A_179 = tpu.memref_squeeze %dma_wait3A_178 : memref<1x200x32xf32, #tpu.memory_space<hbm>> -> memref<200x32xf32, #tpu.memory_space<hbm>>
      %dma_wait3A_180 = arith.constant 0 : i32
      %dma_wait3A_181 = arith.constant 0 : i32
      %dma_wait3A_182 = tpu.memref_slice %arg4[%mul3A_2, %dma_wait3A_180, %dma_wait3A_181] : memref<1024x200x32xf32, #tpu.memory_space<hbm>> -> memref<1x200x32xf32, #tpu.memory_space<hbm>>
      %dma_wait3A_183 = tpu.memref_squeeze %dma_wait3A_182 : memref<1x200x32xf32, #tpu.memory_space<hbm>> -> memref<200x32xf32, #tpu.memory_space<hbm>>
      %dma_wait3A_184 = arith.constant 0 : i32
      %dma_wait3A_185 = arith.constant 0 : i32
      %dma_wait3A_186 = tpu.memref_slice %arg7[%dma_wait3A_171, %dma_wait3A_184, %dma_wait3A_185] : memref<2x208x32xf32, #tpu.memory_space<vmem>> -> memref<1x200x32xf32, #tpu.memory_space<vmem>>
      %dma_wait3A_187 = tpu.memref_squeeze %dma_wait3A_186 : memref<1x200x32xf32, #tpu.memory_space<vmem>> -> memref<200x32xf32, #tpu.memory_space<vmem>>
      tpu.wait_dma2 semaphore(%arg10 : memref<!tpu.dma_semaphore, #tpu.memory_space<semaphore_mem>>) src(%dma_wait3A_187 : memref<200x32xf32, #tpu.memory_space<vmem>>) dst(%dma_wait3A_183 : memref<200x32xf32, #tpu.memory_space<hbm>>)
      %lt3A_188 = arith.constant 15 : i32
      %lt3A_189 = arith.cmpi slt, %scan3A_37, %lt3A_188 : i32
      %convert_element_type3A_190 = arith.extui %lt3A_189 : i1 to i32
      %cond3A_191 = arith.constant 0 : i32
      %cond3A_192 = arith.cmpi ne, %convert_element_type3A_190, %cond3A_191 : i32
      scf.if %cond3A_192 {
        %dma_start3A_193 = arith.constant 0 : i32
        %dma_start3A_194 = arith.constant 0 : i32
        %dma_start3A_195 = arith.constant 0 : i32
        %dma_start3A_196 = arith.constant 0 : i32
        %dma_start3A_197 = tpu.memref_slice %arg7[%dma_start3A_194, %dma_start3A_195, %dma_start3A_196] : memref<2x208x32xf32, #tpu.memory_space<vmem>> -> memref<1x96x32xf32, #tpu.memory_space<vmem>>
        %dma_start3A_198 = tpu.memref_squeeze %dma_start3A_197 : memref<1x96x32xf32, #tpu.memory_space<vmem>> -> memref<96x32xf32, #tpu.memory_space<vmem>>
        %dma_start3A_199 = arith.constant 0 : i32
        %dma_start3A_200 = tpu.memref_slice %arg6[%dma_start3A_193, %dma_start3A_199] : memref<2x208xi32, #tpu.memory_space<vmem>> -> memref<1x96xi32, #tpu.memory_space<vmem>>
        %dma_start3A_201 = tpu.memref_squeeze %dma_start3A_200 : memref<1x96xi32, #tpu.memory_space<vmem>> -> memref<96xi32, #tpu.memory_space<vmem>>
        %dma_start3A_202 = arith.constant 0 : i32
        %dma_start3A_203 = arith.constant 0 : i32
        %dma_start3A_204 = tpu.memref_slice %arg3[%dma_start3A_202, %dma_start3A_203] : memref<1000000x32xf32, #tpu.memory_space<hbm>> -> memref<1000000x32xf32, #tpu.memory_space<hbm>>
        tpu.enqueue_indirect_dma source(%dma_start3A_204 : memref<1000000x32xf32, #tpu.memory_space<hbm>>) target(%dma_start3A_198 : memref<96x32xf32, #tpu.memory_space<vmem>>) offsets(%dma_start3A_201 : memref<96xi32, #tpu.memory_space<vmem>>) semaphore(%arg8 : memref<!tpu.dma_semaphore, #tpu.memory_space<semaphore_mem>>)
        %dma_start3A_205 = arith.constant 0 : i32
        %dma_start3A_206 = arith.constant 0 : i32
        %dma_start3A_207 = arith.constant 96 : i32
        %dma_start3A_208 = arith.constant 0 : i32
        %dma_start3A_209 = tpu.memref_slice %arg7[%dma_start3A_206, %dma_start3A_207, %dma_start3A_208] : memref<2x208x32xf32, #tpu.memory_space<vmem>> -> memref<1x112x32xf32, #tpu.memory_space<vmem>>
        %dma_start3A_210 = tpu.memref_squeeze %dma_start3A_209 : memref<1x112x32xf32, #tpu.memory_space<vmem>> -> memref<112x32xf32, #tpu.memory_space<vmem>>
        %dma_start3A_211 = arith.constant 96 : i32
        %dma_start3A_212 = tpu.memref_slice %arg6[%dma_start3A_205, %dma_start3A_211] : memref<2x208xi32, #tpu.memory_space<vmem>> -> memref<1x112xi32, #tpu.memory_space<vmem>>
        %dma_start3A_213 = tpu.memref_squeeze %dma_start3A_212 : memref<1x112xi32, #tpu.memory_space<vmem>> -> memref<112xi32, #tpu.memory_space<vmem>>
        %dma_start3A_214 = arith.constant 0 : i32
        %dma_start3A_215 = arith.constant 0 : i32
        %dma_start3A_216 = tpu.memref_slice %arg3[%dma_start3A_214, %dma_start3A_215] : memref<1000000x32xf32, #tpu.memory_space<hbm>> -> memref<1000000x32xf32, #tpu.memory_space<hbm>>
        tpu.enqueue_indirect_dma source(%dma_start3A_216 : memref<1000000x32xf32, #tpu.memory_space<hbm>>) target(%dma_start3A_210 : memref<112x32xf32, #tpu.memory_space<vmem>>) offsets(%dma_start3A_213 : memref<112xi32, #tpu.memory_space<vmem>>) semaphore(%arg8 : memref<!tpu.dma_semaphore, #tpu.memory_space<semaphore_mem>>)
      } else {
      }
    }
    %scan3A_36 = arith.constant 16 : i32
    return
  }
}

module attributes {stable_mosaic.version = 14 : i64} {
  func.func @_conv_body(%arg0: i32, %arg1: memref<32x13312xf32, #tpu.memory_space<vmem>>, %arg2: memref<32x13312xf32, #tpu.memory_space<vmem>>, %arg3: memref<32x13312xf32, #tpu.memory_space<vmem>>, %arg4: memref<3328x128xf32, #tpu.memory_space<vmem>>) attributes {dimension_semantics = [#tpu.dimension_semantics<arbitrary>], iteration_bounds = array<i64: 76>, scalar_prefetch = 0 : i64, scratch_operands = 0 : i64, tpu.core_type = #tpu.core_type<tc>, window_params = [{transform_indices = @transform_0, window_bounds = array<i64: 32, 13312>}, {transform_indices = @transform_1, window_bounds = array<i64: 32, 13312>}, {transform_indices = @transform_2, window_bounds = array<i64: 32, 13312>}, {transform_indices = @transform_3, window_bounds = array<i64: 3328, 128>}]} {
    %get3A = arith.constant 0 : index
    %get3A_0 = arith.constant 0 : index
    %get3A_1 = vector.load %arg2[%get3A, %get3A_0] : memref<32x13312xf32, #tpu.memory_space<vmem>>, vector<32x13312xf32>
    %get3A_2 = arith.constant 0 : index
    %get3A_3 = arith.constant 13310 : index
    %get3A_4 = vector.load %arg1[%get3A_2, %get3A_3] : memref<32x13312xf32, #tpu.memory_space<vmem>>, vector<32x2xf32>
    %get3A_5 = arith.constant 0 : index
    %get3A_6 = arith.constant 0 : index
    %get3A_7 = vector.load %arg3[%get3A_5, %get3A_6] : memref<32x13312xf32, #tpu.memory_space<vmem>>, vector<32x2xf32>
    %concatenate3A = tpu.concatenate %get3A_4, %get3A_1, %get3A_7 in 1 : vector<32x2xf32>, vector<32x13312xf32>, vector<32x2xf32> -> vector<32x13316xf32>
    %iota3A = tpu.iota {dimensions = array<i32: 1>} : vector<32x13312xi32>
    %mul3A = arith.constant 13312 : i32
    %mul3A_8 = arith.muli %arg0, %mul3A : i32
    %add3A = vector.broadcast %mul3A_8 : i32 to vector<32x13312xi32>
    %add3A_9 = arith.addi %iota3A, %add3A : vector<32x13312xi32>
    %slice3A = vector.extract_strided_slice %concatenate3A {offsets = [0, 0], sizes = [32, 13312], strides = [1, 1]} : vector<32x13316xf32> to vector<32x13312xf32>
    %add3A_10 = arith.constant -2 : i32
    %add3A_11 = vector.broadcast %add3A_10 : i32 to vector<32x13312xi32>
    %add3A_12 = arith.addi %add3A_9, %add3A_11 : vector<32x13312xi32>
    %lt3A = arith.constant 0 : i32
    %lt3A_13 = vector.broadcast %lt3A : i32 to vector<32x13312xi32>
    %lt3A_14 = arith.cmpi slt, %add3A_12, %lt3A_13 : vector<32x13312xi32>
    %slice3A_15 = vector.extract_strided_slice %get3A_1 {offsets = [0, 0], sizes = [32, 1], strides = [1, 1]} : vector<32x13312xf32> to vector<32x1xf32>
    %broadcast_in_dim3A = vector.shape_cast %slice3A_15 : vector<32x1xf32> to vector<32x1xf32>
    %broadcast_in_dim3A_16 = vector.broadcast %broadcast_in_dim3A : vector<32x1xf32> to vector<32x13312xf32>
    %select_n3A = arith.select %lt3A_14, %broadcast_in_dim3A_16, %slice3A : vector<32x13312xi1>, vector<32x13312xf32>
    %slice3A_17 = vector.extract_strided_slice %concatenate3A {offsets = [0, 1], sizes = [32, 13312], strides = [1, 1]} : vector<32x13316xf32> to vector<32x13312xf32>
    %add3A_18 = arith.constant -1 : i32
    %add3A_19 = vector.broadcast %add3A_18 : i32 to vector<32x13312xi32>
    %add3A_20 = arith.addi %add3A_9, %add3A_19 : vector<32x13312xi32>
    %lt3A_21 = arith.constant 0 : i32
    %lt3A_22 = vector.broadcast %lt3A_21 : i32 to vector<32x13312xi32>
    %lt3A_23 = arith.cmpi slt, %add3A_20, %lt3A_22 : vector<32x13312xi32>
    %slice3A_24 = vector.extract_strided_slice %get3A_1 {offsets = [0, 0], sizes = [32, 1], strides = [1, 1]} : vector<32x13312xf32> to vector<32x1xf32>
    %broadcast_in_dim3A_25 = vector.shape_cast %slice3A_24 : vector<32x1xf32> to vector<32x1xf32>
    %broadcast_in_dim3A_26 = vector.broadcast %broadcast_in_dim3A_25 : vector<32x1xf32> to vector<32x13312xf32>
    %select_n3A_27 = arith.select %lt3A_23, %broadcast_in_dim3A_26, %slice3A_17 : vector<32x13312xi1>, vector<32x13312xf32>
    %slice3A_28 = vector.extract_strided_slice %concatenate3A {offsets = [0, 2], sizes = [32, 13312], strides = [1, 1]} : vector<32x13316xf32> to vector<32x13312xf32>
    %add3A_29 = arith.constant 0 : i32
    %add3A_30 = vector.broadcast %add3A_29 : i32 to vector<32x13312xi32>
    %add3A_31 = arith.addi %add3A_9, %add3A_30 : vector<32x13312xi32>
    %gt3A = arith.constant 999999 : i32
    %gt3A_32 = vector.broadcast %gt3A : i32 to vector<32x13312xi32>
    %gt3A_33 = arith.cmpi sgt, %add3A_31, %gt3A_32 : vector<32x13312xi32>
    %slice3A_34 = vector.extract_strided_slice %get3A_1 {offsets = [0, 1599], sizes = [32, 1], strides = [1, 1]} : vector<32x13312xf32> to vector<32x1xf32>
    %broadcast_in_dim3A_35 = vector.shape_cast %slice3A_34 : vector<32x1xf32> to vector<32x1xf32>
    %broadcast_in_dim3A_36 = vector.broadcast %broadcast_in_dim3A_35 : vector<32x1xf32> to vector<32x13312xf32>
    %select_n3A_37 = arith.select %gt3A_33, %broadcast_in_dim3A_36, %slice3A_28 : vector<32x13312xi1>, vector<32x13312xf32>
    %slice3A_38 = vector.extract_strided_slice %concatenate3A {offsets = [0, 3], sizes = [32, 13312], strides = [1, 1]} : vector<32x13316xf32> to vector<32x13312xf32>
    %add3A_39 = arith.constant 1 : i32
    %add3A_40 = vector.broadcast %add3A_39 : i32 to vector<32x13312xi32>
    %add3A_41 = arith.addi %add3A_9, %add3A_40 : vector<32x13312xi32>
    %gt3A_42 = arith.constant 999999 : i32
    %gt3A_43 = vector.broadcast %gt3A_42 : i32 to vector<32x13312xi32>
    %gt3A_44 = arith.cmpi sgt, %add3A_41, %gt3A_43 : vector<32x13312xi32>
    %slice3A_45 = vector.extract_strided_slice %get3A_1 {offsets = [0, 1599], sizes = [32, 1], strides = [1, 1]} : vector<32x13312xf32> to vector<32x1xf32>
    %broadcast_in_dim3A_46 = vector.shape_cast %slice3A_45 : vector<32x1xf32> to vector<32x1xf32>
    %broadcast_in_dim3A_47 = vector.broadcast %broadcast_in_dim3A_46 : vector<32x1xf32> to vector<32x13312xf32>
    %select_n3A_48 = arith.select %gt3A_44, %broadcast_in_dim3A_47, %slice3A_38 : vector<32x13312xi1>, vector<32x13312xf32>
    %slice3A_49 = vector.extract_strided_slice %concatenate3A {offsets = [0, 4], sizes = [32, 13312], strides = [1, 1]} : vector<32x13316xf32> to vector<32x13312xf32>
    %add3A_50 = arith.constant 2 : i32
    %add3A_51 = vector.broadcast %add3A_50 : i32 to vector<32x13312xi32>
    %add3A_52 = arith.addi %add3A_9, %add3A_51 : vector<32x13312xi32>
    %gt3A_53 = arith.constant 999999 : i32
    %gt3A_54 = vector.broadcast %gt3A_53 : i32 to vector<32x13312xi32>
    %gt3A_55 = arith.cmpi sgt, %add3A_52, %gt3A_54 : vector<32x13312xi32>
    %slice3A_56 = vector.extract_strided_slice %get3A_1 {offsets = [0, 1599], sizes = [32, 1], strides = [1, 1]} : vector<32x13312xf32> to vector<32x1xf32>
    %broadcast_in_dim3A_57 = vector.shape_cast %slice3A_56 : vector<32x1xf32> to vector<32x1xf32>
    %broadcast_in_dim3A_58 = vector.broadcast %broadcast_in_dim3A_57 : vector<32x1xf32> to vector<32x13312xf32>
    %select_n3A_59 = arith.select %gt3A_55, %broadcast_in_dim3A_58, %slice3A_49 : vector<32x13312xi1>, vector<32x13312xf32>
    %add3A_60 = arith.addf %select_n3A, %select_n3A_59 : vector<32x13312xf32>
    %mul3A_61 = arith.constant 1.000000e-01 : f32
    %mul3A_62 = vector.broadcast %mul3A_61 : f32 to vector<32x13312xf32>
    %mul3A_63 = arith.mulf %mul3A_62, %add3A_60 : vector<32x13312xf32>
    %add3A_64 = arith.addf %select_n3A_27, %select_n3A_48 : vector<32x13312xf32>
    %mul3A_65 = arith.constant 2.000000e-01 : f32
    %mul3A_66 = vector.broadcast %mul3A_65 : f32 to vector<32x13312xf32>
    %mul3A_67 = arith.mulf %mul3A_66, %add3A_64 : vector<32x13312xf32>
    %add3A_68 = arith.addf %mul3A_63, %mul3A_67 : vector<32x13312xf32>
    %mul3A_69 = arith.constant 4.000000e-01 : f32
    %mul3A_70 = vector.broadcast %mul3A_69 : f32 to vector<32x13312xf32>
    %mul3A_71 = arith.mulf %mul3A_70, %select_n3A_37 : vector<32x13312xf32>
    %add3A_72 = arith.addf %add3A_68, %mul3A_71 : vector<32x13312xf32>
    %le3A = arith.constant 999999 : i32
    %le3A_73 = vector.broadcast %le3A : i32 to vector<32x13312xi32>
    %le3A_74 = arith.cmpi sle, %add3A_9, %le3A_73 : vector<32x13312xi32>
    %jit3A = arith.constant 0.000000e+00 : f32
    %broadcast_in_dim3A_75 = vector.broadcast %jit3A : f32 to vector<32x13312xf32>
    %select_n3A_76 = arith.select %le3A_74, %add3A_72, %broadcast_in_dim3A_75 : vector<32x13312xi1>, vector<32x13312xf32>
    %transpose3A = tpu.transpose %select_n3A_76, [1, 0] : vector<32x13312xf32> -> vector<13312x32xf32>
    %iota3A_77 = tpu.iota {dimensions = array<i32: 0>} : vector<32x128xi32>
    %iota3A_78 = tpu.iota {dimensions = array<i32: 1>} : vector<32x128xi32>
    %rem3A = arith.constant 32 : i32
    %rem3A_79 = vector.broadcast %rem3A : i32 to vector<32x128xi32>
    %rem3A_80 = arith.remsi %iota3A_78, %rem3A_79 : vector<32x128xi32>
    %eq3A = arith.cmpi eq, %rem3A_80, %iota3A_77 : vector<32x128xi32>
    %convert_element_type3A = arith.extui %eq3A : vector<32x128xi1> to vector<32x128xi32>
    %convert_element_type3A_81 = arith.sitofp %convert_element_type3A : vector<32x128xi32> to vector<32x128xf32>
    %iota3A_82 = tpu.iota {dimensions = array<i32: 0>} : vector<512x128xi32>
    %iota3A_83 = tpu.iota {dimensions = array<i32: 1>} : vector<512x128xi32>
    %div3A = arith.constant 32 : i32
    %div3A_84 = vector.broadcast %div3A : i32 to vector<512x128xi32>
    %div3A_85 = arith.divsi %iota3A_83, %div3A_84 : vector<512x128xi32>
    %rem3A_86 = arith.constant 4 : i32
    %rem3A_87 = vector.broadcast %rem3A_86 : i32 to vector<512x128xi32>
    %rem3A_88 = arith.remsi %iota3A_82, %rem3A_87 : vector<512x128xi32>
    %eq3A_89 = arith.cmpi eq, %div3A_85, %rem3A_88 : vector<512x128xi32>
    %convert_element_type3A_90 = arith.extui %eq3A_89 : vector<512x128xi1> to vector<512x128xi32>
    %convert_element_type3A_91 = arith.sitofp %convert_element_type3A_90 : vector<512x128xi32> to vector<512x128xf32>
    %iota3A_92 = tpu.iota {dimensions = array<i32: 0>} : vector<128x512xi32>
    %iota3A_93 = tpu.iota {dimensions = array<i32: 1>} : vector<128x512xi32>
    %div3A_94 = arith.constant 4 : i32
    %div3A_95 = vector.broadcast %div3A_94 : i32 to vector<128x512xi32>
    %div3A_96 = arith.divsi %iota3A_93, %div3A_95 : vector<128x512xi32>
    %eq3A_97 = arith.cmpi eq, %div3A_96, %iota3A_92 : vector<128x512xi32>
    %convert_element_type3A_98 = arith.extui %eq3A_97 : vector<128x512xi1> to vector<128x512xi32>
    %convert_element_type3A_99 = arith.sitofp %convert_element_type3A_98 : vector<128x512xi32> to vector<128x512xf32>
    %slice3A_100 = vector.extract_strided_slice %transpose3A {offsets = [0, 0], sizes = [512, 32], strides = [1, 1]} : vector<13312x32xf32> to vector<512x32xf32>
    %dot_general3A = arith.constant dense<0.000000e+00> : vector<512x128xf32>
    %dot_general3A_101 = tpu.matmul %slice3A_100, %convert_element_type3A_81, %dot_general3A {dimension_numbers = #tpu.dot_dimension_numbers<[1], [0], [0], [1], [0, 0, 1, 1], [], []>, transpose_lhs_hint = false} : vector<512x32xf32>, vector<32x128xf32>, vector<512x128xf32> -> vector<512x128xf32>
    %mul3A_102 = arith.mulf %dot_general3A_101, %convert_element_type3A_91 : vector<512x128xf32>
    %dot_general3A_103 = arith.constant dense<0.000000e+00> : vector<128x128xf32>
    %dot_general3A_104 = tpu.matmul %convert_element_type3A_99, %mul3A_102, %dot_general3A_103 {dimension_numbers = #tpu.dot_dimension_numbers<[1], [0], [0], [1], [0, 0, 1, 1], [], []>, transpose_lhs_hint = false} : vector<128x512xf32>, vector<512x128xf32>, vector<128x128xf32> -> vector<128x128xf32>
    %swap3A = arith.constant 0 : index
    %swap3A_105 = arith.constant 0 : index
    %swap3A_106 = vector.load %arg4[%swap3A, %swap3A_105] : memref<3328x128xf32, #tpu.memory_space<vmem>>, vector<128x128xf32>
    tpu.vector_store %arg4[%swap3A, %swap3A_105], %dot_general3A_104 {strides = array<i32>} : memref<3328x128xf32, #tpu.memory_space<vmem>>, vector<128x128xf32>,
    %slice3A_107 = vector.extract_strided_slice %transpose3A {offsets = [512, 0], sizes = [512, 32], strides = [1, 1]} : vector<13312x32xf32> to vector<512x32xf32>
    %dot_general3A_108 = arith.constant dense<0.000000e+00> : vector<512x128xf32>
    %dot_general3A_109 = tpu.matmul %slice3A_107, %convert_element_type3A_81, %dot_general3A_108 {dimension_numbers = #tpu.dot_dimension_numbers<[1], [0], [0], [1], [0, 0, 1, 1], [], []>, transpose_lhs_hint = false} : vector<512x32xf32>, vector<32x128xf32>, vector<512x128xf32> -> vector<512x128xf32>
    %mul3A_110 = arith.mulf %dot_general3A_109, %convert_element_type3A_91 : vector<512x128xf32>
    %dot_general3A_111 = arith.constant dense<0.000000e+00> : vector<128x128xf32>
    %dot_general3A_112 = tpu.matmul %convert_element_type3A_99, %mul3A_110, %dot_general3A_111 {dimension_numbers = #tpu.dot_dimension_numbers<[1], [0], [0], [1], [0, 0, 1, 1], [], []>, transpose_lhs_hint = false} : vector<128x512xf32>, vector<512x128xf32>, vector<128x128xf32> -> vector<128x128xf32>
    %swap3A_113 = arith.constant 128 : index
    %swap3A_114 = arith.constant 0 : index
    %swap3A_115 = vector.load %arg4[%swap3A_113, %swap3A_114] : memref<3328x128xf32, #tpu.memory_space<vmem>>, vector<128x128xf32>
    tpu.vector_store %arg4[%swap3A_113, %swap3A_114], %dot_general3A_112 {strides = array<i32>} : memref<3328x128xf32, #tpu.memory_space<vmem>>, vector<128x128xf32>,
    %slice3A_116 = vector.extract_strided_slice %transpose3A {offsets = [1024, 0], sizes = [512, 32], strides = [1, 1]} : vector<13312x32xf32> to vector<512x32xf32>
    %dot_general3A_117 = arith.constant dense<0.000000e+00> : vector<512x128xf32>
    %dot_general3A_118 = tpu.matmul %slice3A_116, %convert_element_type3A_81, %dot_general3A_117 {dimension_numbers = #tpu.dot_dimension_numbers<[1], [0], [0], [1], [0, 0, 1, 1], [], []>, transpose_lhs_hint = false} : vector<512x32xf32>, vector<32x128xf32>, vector<512x128xf32> -> vector<512x128xf32>
    %mul3A_119 = arith.mulf %dot_general3A_118, %convert_element_type3A_91 : vector<512x128xf32>
    %dot_general3A_120 = arith.constant dense<0.000000e+00> : vector<128x128xf32>
    %dot_general3A_121 = tpu.matmul %convert_element_type3A_99, %mul3A_119, %dot_general3A_120 {dimension_numbers = #tpu.dot_dimension_numbers<[1], [0], [0], [1], [0, 0, 1, 1], [], []>, transpose_lhs_hint = false} : vector<128x512xf32>, vector<512x128xf32>, vector<128x128xf32> -> vector<128x128xf32>
    %swap3A_122 = arith.constant 256 : index
    %swap3A_123 = arith.constant 0 : index
    %swap3A_124 = vector.load %arg4[%swap3A_122, %swap3A_123] : memref<3328x128xf32, #tpu.memory_space<vmem>>, vector<128x128xf32>
    tpu.vector_store %arg4[%swap3A_122, %swap3A_123], %dot_general3A_121 {strides = array<i32>} : memref<3328x128xf32, #tpu.memory_space<vmem>>, vector<128x128xf32>,
    %slice3A_125 = vector.extract_strided_slice %transpose3A {offsets = [1536, 0], sizes = [512, 32], strides = [1, 1]} : vector<13312x32xf32> to vector<512x32xf32>
    %dot_general3A_126 = arith.constant dense<0.000000e+00> : vector<512x128xf32>
    %dot_general3A_127 = tpu.matmul %slice3A_125, %convert_element_type3A_81, %dot_general3A_126 {dimension_numbers = #tpu.dot_dimension_numbers<[1], [0], [0], [1], [0, 0, 1, 1], [], []>, transpose_lhs_hint = false} : vector<512x32xf32>, vector<32x128xf32>, vector<512x128xf32> -> vector<512x128xf32>
    %mul3A_128 = arith.mulf %dot_general3A_127, %convert_element_type3A_91 : vector<512x128xf32>
    %dot_general3A_129 = arith.constant dense<0.000000e+00> : vector<128x128xf32>
    %dot_general3A_130 = tpu.matmul %convert_element_type3A_99, %mul3A_128, %dot_general3A_129 {dimension_numbers = #tpu.dot_dimension_numbers<[1], [0], [0], [1], [0, 0, 1, 1], [], []>, transpose_lhs_hint = false} : vector<128x512xf32>, vector<512x128xf32>, vector<128x128xf32> -> vector<128x128xf32>
    %swap3A_131 = arith.constant 384 : index
    %swap3A_132 = arith.constant 0 : index
    %swap3A_133 = vector.load %arg4[%swap3A_131, %swap3A_132] : memref<3328x128xf32, #tpu.memory_space<vmem>>, vector<128x128xf32>
    tpu.vector_store %arg4[%swap3A_131, %swap3A_132], %dot_general3A_130 {strides = array<i32>} : memref<3328x128xf32, #tpu.memory_space<vmem>>, vector<128x128xf32>,
    %slice3A_134 = vector.extract_strided_slice %transpose3A {offsets = [2048, 0], sizes = [512, 32], strides = [1, 1]} : vector<13312x32xf32> to vector<512x32xf32>
    %dot_general3A_135 = arith.constant dense<0.000000e+00> : vector<512x128xf32>
    %dot_general3A_136 = tpu.matmul %slice3A_134, %convert_element_type3A_81, %dot_general3A_135 {dimension_numbers = #tpu.dot_dimension_numbers<[1], [0], [0], [1], [0, 0, 1, 1], [], []>, transpose_lhs_hint = false} : vector<512x32xf32>, vector<32x128xf32>, vector<512x128xf32> -> vector<512x128xf32>
    %mul3A_137 = arith.mulf %dot_general3A_136, %convert_element_type3A_91 : vector<512x128xf32>
    %dot_general3A_138 = arith.constant dense<0.000000e+00> : vector<128x128xf32>
    %dot_general3A_139 = tpu.matmul %convert_element_type3A_99, %mul3A_137, %dot_general3A_138 {dimension_numbers = #tpu.dot_dimension_numbers<[1], [0], [0], [1], [0, 0, 1, 1], [], []>, transpose_lhs_hint = false} : vector<128x512xf32>, vector<512x128xf32>, vector<128x128xf32> -> vector<128x128xf32>
    %swap3A_140 = arith.constant 512 : index
    %swap3A_141 = arith.constant 0 : index
    %swap3A_142 = vector.load %arg4[%swap3A_140, %swap3A_141] : memref<3328x128xf32, #tpu.memory_space<vmem>>, vector<128x128xf32>
    tpu.vector_store %arg4[%swap3A_140, %swap3A_141], %dot_general3A_139 {strides = array<i32>} : memref<3328x128xf32, #tpu.memory_space<vmem>>, vector<128x128xf32>,
    %slice3A_143 = vector.extract_strided_slice %transpose3A {offsets = [2560, 0], sizes = [512, 32], strides = [1, 1]} : vector<13312x32xf32> to vector<512x32xf32>
    %dot_general3A_144 = arith.constant dense<0.000000e+00> : vector<512x128xf32>
    %dot_general3A_145 = tpu.matmul %slice3A_143, %convert_element_type3A_81, %dot_general3A_144 {dimension_numbers = #tpu.dot_dimension_numbers<[1], [0], [0], [1], [0, 0, 1, 1], [], []>, transpose_lhs_hint = false} : vector<512x32xf32>, vector<32x128xf32>, vector<512x128xf32> -> vector<512x128xf32>
    %mul3A_146 = arith.mulf %dot_general3A_145, %convert_element_type3A_91 : vector<512x128xf32>
    %dot_general3A_147 = arith.constant dense<0.000000e+00> : vector<128x128xf32>
    %dot_general3A_148 = tpu.matmul %convert_element_type3A_99, %mul3A_146, %dot_general3A_147 {dimension_numbers = #tpu.dot_dimension_numbers<[1], [0], [0], [1], [0, 0, 1, 1], [], []>, transpose_lhs_hint = false} : vector<128x512xf32>, vector<512x128xf32>, vector<128x128xf32> -> vector<128x128xf32>
    %swap3A_149 = arith.constant 640 : index
    %swap3A_150 = arith.constant 0 : index
    %swap3A_151 = vector.load %arg4[%swap3A_149, %swap3A_150] : memref<3328x128xf32, #tpu.memory_space<vmem>>, vector<128x128xf32>
    tpu.vector_store %arg4[%swap3A_149, %swap3A_150], %dot_general3A_148 {strides = array<i32>} : memref<3328x128xf32, #tpu.memory_space<vmem>>, vector<128x128xf32>,
    %slice3A_152 = vector.extract_strided_slice %transpose3A {offsets = [3072, 0], sizes = [512, 32], strides = [1, 1]} : vector<13312x32xf32> to vector<512x32xf32>
    %dot_general3A_153 = arith.constant dense<0.000000e+00> : vector<512x128xf32>
    %dot_general3A_154 = tpu.matmul %slice3A_152, %convert_element_type3A_81, %dot_general3A_153 {dimension_numbers = #tpu.dot_dimension_numbers<[1], [0], [0], [1], [0, 0, 1, 1], [], []>, transpose_lhs_hint = false} : vector<512x32xf32>, vector<32x128xf32>, vector<512x128xf32> -> vector<512x128xf32>
    %mul3A_155 = arith.mulf %dot_general3A_154, %convert_element_type3A_91 : vector<512x128xf32>
    %dot_general3A_156 = arith.constant dense<0.000000e+00> : vector<128x128xf32>
    %dot_general3A_157 = tpu.matmul %convert_element_type3A_99, %mul3A_155, %dot_general3A_156 {dimension_numbers = #tpu.dot_dimension_numbers<[1], [0], [0], [1], [0, 0, 1, 1], [], []>, transpose_lhs_hint = false} : vector<128x512xf32>, vector<512x128xf32>, vector<128x128xf32> -> vector<128x128xf32>
    %swap3A_158 = arith.constant 768 : index
    %swap3A_159 = arith.constant 0 : index
    %swap3A_160 = vector.load %arg4[%swap3A_158, %swap3A_159] : memref<3328x128xf32, #tpu.memory_space<vmem>>, vector<128x128xf32>
    tpu.vector_store %arg4[%swap3A_158, %swap3A_159], %dot_general3A_157 {strides = array<i32>} : memref<3328x128xf32, #tpu.memory_space<vmem>>, vector<128x128xf32>,
    %slice3A_161 = vector.extract_strided_slice %transpose3A {offsets = [3584, 0], sizes = [512, 32], strides = [1, 1]} : vector<13312x32xf32> to vector<512x32xf32>
    %dot_general3A_162 = arith.constant dense<0.000000e+00> : vector<512x128xf32>
    %dot_general3A_163 = tpu.matmul %slice3A_161, %convert_element_type3A_81, %dot_general3A_162 {dimension_numbers = #tpu.dot_dimension_numbers<[1], [0], [0], [1], [0, 0, 1, 1], [], []>, transpose_lhs_hint = false} : vector<512x32xf32>, vector<32x128xf32>, vector<512x128xf32> -> vector<512x128xf32>
    %mul3A_164 = arith.mulf %dot_general3A_163, %convert_element_type3A_91 : vector<512x128xf32>
    %dot_general3A_165 = arith.constant dense<0.000000e+00> : vector<128x128xf32>
    %dot_general3A_166 = tpu.matmul %convert_element_type3A_99, %mul3A_164, %dot_general3A_165 {dimension_numbers = #tpu.dot_dimension_numbers<[1], [0], [0], [1], [0, 0, 1, 1], [], []>, transpose_lhs_hint = false} : vector<128x512xf32>, vector<512x128xf32>, vector<128x128xf32> -> vector<128x128xf32>
    %swap3A_167 = arith.constant 896 : index
    %swap3A_168 = arith.constant 0 : index
    %swap3A_169 = vector.load %arg4[%swap3A_167, %swap3A_168] : memref<3328x128xf32, #tpu.memory_space<vmem>>, vector<128x128xf32>
    tpu.vector_store %arg4[%swap3A_167, %swap3A_168], %dot_general3A_166 {strides = array<i32>} : memref<3328x128xf32, #tpu.memory_space<vmem>>, vector<128x128xf32>,
    %slice3A_170 = vector.extract_strided_slice %transpose3A {offsets = [4096, 0], sizes = [512, 32], strides = [1, 1]} : vector<13312x32xf32> to vector<512x32xf32>
    %dot_general3A_171 = arith.constant dense<0.000000e+00> : vector<512x128xf32>
    %dot_general3A_172 = tpu.matmul %slice3A_170, %convert_element_type3A_81, %dot_general3A_171 {dimension_numbers = #tpu.dot_dimension_numbers<[1], [0], [0], [1], [0, 0, 1, 1], [], []>, transpose_lhs_hint = false} : vector<512x32xf32>, vector<32x128xf32>, vector<512x128xf32> -> vector<512x128xf32>
    %mul3A_173 = arith.mulf %dot_general3A_172, %convert_element_type3A_91 : vector<512x128xf32>
    %dot_general3A_174 = arith.constant dense<0.000000e+00> : vector<128x128xf32>
    %dot_general3A_175 = tpu.matmul %convert_element_type3A_99, %mul3A_173, %dot_general3A_174 {dimension_numbers = #tpu.dot_dimension_numbers<[1], [0], [0], [1], [0, 0, 1, 1], [], []>, transpose_lhs_hint = false} : vector<128x512xf32>, vector<512x128xf32>, vector<128x128xf32> -> vector<128x128xf32>
    %swap3A_176 = arith.constant 1024 : index
    %swap3A_177 = arith.constant 0 : index
    %swap3A_178 = vector.load %arg4[%swap3A_176, %swap3A_177] : memref<3328x128xf32, #tpu.memory_space<vmem>>, vector<128x128xf32>
    tpu.vector_store %arg4[%swap3A_176, %swap3A_177], %dot_general3A_175 {strides = array<i32>} : memref<3328x128xf32, #tpu.memory_space<vmem>>, vector<128x128xf32>,
    %slice3A_179 = vector.extract_strided_slice %transpose3A {offsets = [4608, 0], sizes = [512, 32], strides = [1, 1]} : vector<13312x32xf32> to vector<512x32xf32>
    %dot_general3A_180 = arith.constant dense<0.000000e+00> : vector<512x128xf32>
    %dot_general3A_181 = tpu.matmul %slice3A_179, %convert_element_type3A_81, %dot_general3A_180 {dimension_numbers = #tpu.dot_dimension_numbers<[1], [0], [0], [1], [0, 0, 1, 1], [], []>, transpose_lhs_hint = false} : vector<512x32xf32>, vector<32x128xf32>, vector<512x128xf32> -> vector<512x128xf32>
    %mul3A_182 = arith.mulf %dot_general3A_181, %convert_element_type3A_91 : vector<512x128xf32>
    %dot_general3A_183 = arith.constant dense<0.000000e+00> : vector<128x128xf32>
    %dot_general3A_184 = tpu.matmul %convert_element_type3A_99, %mul3A_182, %dot_general3A_183 {dimension_numbers = #tpu.dot_dimension_numbers<[1], [0], [0], [1], [0, 0, 1, 1], [], []>, transpose_lhs_hint = false} : vector<128x512xf32>, vector<512x128xf32>, vector<128x128xf32> -> vector<128x128xf32>
    %swap3A_185 = arith.constant 1152 : index
    %swap3A_186 = arith.constant 0 : index
    %swap3A_187 = vector.load %arg4[%swap3A_185, %swap3A_186] : memref<3328x128xf32, #tpu.memory_space<vmem>>, vector<128x128xf32>
    tpu.vector_store %arg4[%swap3A_185, %swap3A_186], %dot_general3A_184 {strides = array<i32>} : memref<3328x128xf32, #tpu.memory_space<vmem>>, vector<128x128xf32>,
    %slice3A_188 = vector.extract_strided_slice %transpose3A {offsets = [5120, 0], sizes = [512, 32], strides = [1, 1]} : vector<13312x32xf32> to vector<512x32xf32>
    %dot_general3A_189 = arith.constant dense<0.000000e+00> : vector<512x128xf32>
    %dot_general3A_190 = tpu.matmul %slice3A_188, %convert_element_type3A_81, %dot_general3A_189 {dimension_numbers = #tpu.dot_dimension_numbers<[1], [0], [0], [1], [0, 0, 1, 1], [], []>, transpose_lhs_hint = false} : vector<512x32xf32>, vector<32x128xf32>, vector<512x128xf32> -> vector<512x128xf32>
    %mul3A_191 = arith.mulf %dot_general3A_190, %convert_element_type3A_91 : vector<512x128xf32>
    %dot_general3A_192 = arith.constant dense<0.000000e+00> : vector<128x128xf32>
    %dot_general3A_193 = tpu.matmul %convert_element_type3A_99, %mul3A_191, %dot_general3A_192 {dimension_numbers = #tpu.dot_dimension_numbers<[1], [0], [0], [1], [0, 0, 1, 1], [], []>, transpose_lhs_hint = false} : vector<128x512xf32>, vector<512x128xf32>, vector<128x128xf32> -> vector<128x128xf32>
    %swap3A_194 = arith.constant 1280 : index
    %swap3A_195 = arith.constant 0 : index
    %swap3A_196 = vector.load %arg4[%swap3A_194, %swap3A_195] : memref<3328x128xf32, #tpu.memory_space<vmem>>, vector<128x128xf32>
    tpu.vector_store %arg4[%swap3A_194, %swap3A_195], %dot_general3A_193 {strides = array<i32>} : memref<3328x128xf32, #tpu.memory_space<vmem>>, vector<128x128xf32>,
    %slice3A_197 = vector.extract_strided_slice %transpose3A {offsets = [5632, 0], sizes = [512, 32], strides = [1, 1]} : vector<13312x32xf32> to vector<512x32xf32>
    %dot_general3A_198 = arith.constant dense<0.000000e+00> : vector<512x128xf32>
    %dot_general3A_199 = tpu.matmul %slice3A_197, %convert_element_type3A_81, %dot_general3A_198 {dimension_numbers = #tpu.dot_dimension_numbers<[1], [0], [0], [1], [0, 0, 1, 1], [], []>, transpose_lhs_hint = false} : vector<512x32xf32>, vector<32x128xf32>, vector<512x128xf32> -> vector<512x128xf32>
    %mul3A_200 = arith.mulf %dot_general3A_199, %convert_element_type3A_91 : vector<512x128xf32>
    %dot_general3A_201 = arith.constant dense<0.000000e+00> : vector<128x128xf32>
    %dot_general3A_202 = tpu.matmul %convert_element_type3A_99, %mul3A_200, %dot_general3A_201 {dimension_numbers = #tpu.dot_dimension_numbers<[1], [0], [0], [1], [0, 0, 1, 1], [], []>, transpose_lhs_hint = false} : vector<128x512xf32>, vector<512x128xf32>, vector<128x128xf32> -> vector<128x128xf32>
    %swap3A_203 = arith.constant 1408 : index
    %swap3A_204 = arith.constant 0 : index
    %swap3A_205 = vector.load %arg4[%swap3A_203, %swap3A_204] : memref<3328x128xf32, #tpu.memory_space<vmem>>, vector<128x128xf32>
    tpu.vector_store %arg4[%swap3A_203, %swap3A_204], %dot_general3A_202 {strides = array<i32>} : memref<3328x128xf32, #tpu.memory_space<vmem>>, vector<128x128xf32>,
    %slice3A_206 = vector.extract_strided_slice %transpose3A {offsets = [6144, 0], sizes = [512, 32], strides = [1, 1]} : vector<13312x32xf32> to vector<512x32xf32>
    %dot_general3A_207 = arith.constant dense<0.000000e+00> : vector<512x128xf32>
    %dot_general3A_208 = tpu.matmul %slice3A_206, %convert_element_type3A_81, %dot_general3A_207 {dimension_numbers = #tpu.dot_dimension_numbers<[1], [0], [0], [1], [0, 0, 1, 1], [], []>, transpose_lhs_hint = false} : vector<512x32xf32>, vector<32x128xf32>, vector<512x128xf32> -> vector<512x128xf32>
    %mul3A_209 = arith.mulf %dot_general3A_208, %convert_element_type3A_91 : vector<512x128xf32>
    %dot_general3A_210 = arith.constant dense<0.000000e+00> : vector<128x128xf32>
    %dot_general3A_211 = tpu.matmul %convert_element_type3A_99, %mul3A_209, %dot_general3A_210 {dimension_numbers = #tpu.dot_dimension_numbers<[1], [0], [0], [1], [0, 0, 1, 1], [], []>, transpose_lhs_hint = false} : vector<128x512xf32>, vector<512x128xf32>, vector<128x128xf32> -> vector<128x128xf32>
    %swap3A_212 = arith.constant 1536 : index
    %swap3A_213 = arith.constant 0 : index
    %swap3A_214 = vector.load %arg4[%swap3A_212, %swap3A_213] : memref<3328x128xf32, #tpu.memory_space<vmem>>, vector<128x128xf32>
    tpu.vector_store %arg4[%swap3A_212, %swap3A_213], %dot_general3A_211 {strides = array<i32>} : memref<3328x128xf32, #tpu.memory_space<vmem>>, vector<128x128xf32>,
    %slice3A_215 = vector.extract_strided_slice %transpose3A {offsets = [6656, 0], sizes = [512, 32], strides = [1, 1]} : vector<13312x32xf32> to vector<512x32xf32>
    %dot_general3A_216 = arith.constant dense<0.000000e+00> : vector<512x128xf32>
    %dot_general3A_217 = tpu.matmul %slice3A_215, %convert_element_type3A_81, %dot_general3A_216 {dimension_numbers = #tpu.dot_dimension_numbers<[1], [0], [0], [1], [0, 0, 1, 1], [], []>, transpose_lhs_hint = false} : vector<512x32xf32>, vector<32x128xf32>, vector<512x128xf32> -> vector<512x128xf32>
    %mul3A_218 = arith.mulf %dot_general3A_217, %convert_element_type3A_91 : vector<512x128xf32>
    %dot_general3A_219 = arith.constant dense<0.000000e+00> : vector<128x128xf32>
    %dot_general3A_220 = tpu.matmul %convert_element_type3A_99, %mul3A_218, %dot_general3A_219 {dimension_numbers = #tpu.dot_dimension_numbers<[1], [0], [0], [1], [0, 0, 1, 1], [], []>, transpose_lhs_hint = false} : vector<128x512xf32>, vector<512x128xf32>, vector<128x128xf32> -> vector<128x128xf32>
    %swap3A_221 = arith.constant 1664 : index
    %swap3A_222 = arith.constant 0 : index
    %swap3A_223 = vector.load %arg4[%swap3A_221, %swap3A_222] : memref<3328x128xf32, #tpu.memory_space<vmem>>, vector<128x128xf32>
    tpu.vector_store %arg4[%swap3A_221, %swap3A_222], %dot_general3A_220 {strides = array<i32>} : memref<3328x128xf32, #tpu.memory_space<vmem>>, vector<128x128xf32>,
    %slice3A_224 = vector.extract_strided_slice %transpose3A {offsets = [7168, 0], sizes = [512, 32], strides = [1, 1]} : vector<13312x32xf32> to vector<512x32xf32>
    %dot_general3A_225 = arith.constant dense<0.000000e+00> : vector<512x128xf32>
    %dot_general3A_226 = tpu.matmul %slice3A_224, %convert_element_type3A_81, %dot_general3A_225 {dimension_numbers = #tpu.dot_dimension_numbers<[1], [0], [0], [1], [0, 0, 1, 1], [], []>, transpose_lhs_hint = false} : vector<512x32xf32>, vector<32x128xf32>, vector<512x128xf32> -> vector<512x128xf32>
    %mul3A_227 = arith.mulf %dot_general3A_226, %convert_element_type3A_91 : vector<512x128xf32>
    %dot_general3A_228 = arith.constant dense<0.000000e+00> : vector<128x128xf32>
    %dot_general3A_229 = tpu.matmul %convert_element_type3A_99, %mul3A_227, %dot_general3A_228 {dimension_numbers = #tpu.dot_dimension_numbers<[1], [0], [0], [1], [0, 0, 1, 1], [], []>, transpose_lhs_hint = false} : vector<128x512xf32>, vector<512x128xf32>, vector<128x128xf32> -> vector<128x128xf32>
    %swap3A_230 = arith.constant 1792 : index
    %swap3A_231 = arith.constant 0 : index
    %swap3A_232 = vector.load %arg4[%swap3A_230, %swap3A_231] : memref<3328x128xf32, #tpu.memory_space<vmem>>, vector<128x128xf32>
    tpu.vector_store %arg4[%swap3A_230, %swap3A_231], %dot_general3A_229 {strides = array<i32>} : memref<3328x128xf32, #tpu.memory_space<vmem>>, vector<128x128xf32>,
    %slice3A_233 = vector.extract_strided_slice %transpose3A {offsets = [7680, 0], sizes = [512, 32], strides = [1, 1]} : vector<13312x32xf32> to vector<512x32xf32>
    %dot_general3A_234 = arith.constant dense<0.000000e+00> : vector<512x128xf32>
    %dot_general3A_235 = tpu.matmul %slice3A_233, %convert_element_type3A_81, %dot_general3A_234 {dimension_numbers = #tpu.dot_dimension_numbers<[1], [0], [0], [1], [0, 0, 1, 1], [], []>, transpose_lhs_hint = false} : vector<512x32xf32>, vector<32x128xf32>, vector<512x128xf32> -> vector<512x128xf32>
    %mul3A_236 = arith.mulf %dot_general3A_235, %convert_element_type3A_91 : vector<512x128xf32>
    %dot_general3A_237 = arith.constant dense<0.000000e+00> : vector<128x128xf32>
    %dot_general3A_238 = tpu.matmul %convert_element_type3A_99, %mul3A_236, %dot_general3A_237 {dimension_numbers = #tpu.dot_dimension_numbers<[1], [0], [0], [1], [0, 0, 1, 1], [], []>, transpose_lhs_hint = false} : vector<128x512xf32>, vector<512x128xf32>, vector<128x128xf32> -> vector<128x128xf32>
    %swap3A_239 = arith.constant 1920 : index
    %swap3A_240 = arith.constant 0 : index
    %swap3A_241 = vector.load %arg4[%swap3A_239, %swap3A_240] : memref<3328x128xf32, #tpu.memory_space<vmem>>, vector<128x128xf32>
    tpu.vector_store %arg4[%swap3A_239, %swap3A_240], %dot_general3A_238 {strides = array<i32>} : memref<3328x128xf32, #tpu.memory_space<vmem>>, vector<128x128xf32>,
    %slice3A_242 = vector.extract_strided_slice %transpose3A {offsets = [8192, 0], sizes = [512, 32], strides = [1, 1]} : vector<13312x32xf32> to vector<512x32xf32>
    %dot_general3A_243 = arith.constant dense<0.000000e+00> : vector<512x128xf32>
    %dot_general3A_244 = tpu.matmul %slice3A_242, %convert_element_type3A_81, %dot_general3A_243 {dimension_numbers = #tpu.dot_dimension_numbers<[1], [0], [0], [1], [0, 0, 1, 1], [], []>, transpose_lhs_hint = false} : vector<512x32xf32>, vector<32x128xf32>, vector<512x128xf32> -> vector<512x128xf32>
    %mul3A_245 = arith.mulf %dot_general3A_244, %convert_element_type3A_91 : vector<512x128xf32>
    %dot_general3A_246 = arith.constant dense<0.000000e+00> : vector<128x128xf32>
    %dot_general3A_247 = tpu.matmul %convert_element_type3A_99, %mul3A_245, %dot_general3A_246 {dimension_numbers = #tpu.dot_dimension_numbers<[1], [0], [0], [1], [0, 0, 1, 1], [], []>, transpose_lhs_hint = false} : vector<128x512xf32>, vector<512x128xf32>, vector<128x128xf32> -> vector<128x128xf32>
    %swap3A_248 = arith.constant 2048 : index
    %swap3A_249 = arith.constant 0 : index
    %swap3A_250 = vector.load %arg4[%swap3A_248, %swap3A_249] : memref<3328x128xf32, #tpu.memory_space<vmem>>, vector<128x128xf32>
    tpu.vector_store %arg4[%swap3A_248, %swap3A_249], %dot_general3A_247 {strides = array<i32>} : memref<3328x128xf32, #tpu.memory_space<vmem>>, vector<128x128xf32>,
    %slice3A_251 = vector.extract_strided_slice %transpose3A {offsets = [8704, 0], sizes = [512, 32], strides = [1, 1]} : vector<13312x32xf32> to vector<512x32xf32>
    %dot_general3A_252 = arith.constant dense<0.000000e+00> : vector<512x128xf32>
    %dot_general3A_253 = tpu.matmul %slice3A_251, %convert_element_type3A_81, %dot_general3A_252 {dimension_numbers = #tpu.dot_dimension_numbers<[1], [0], [0], [1], [0, 0, 1, 1], [], []>, transpose_lhs_hint = false} : vector<512x32xf32>, vector<32x128xf32>, vector<512x128xf32> -> vector<512x128xf32>
    %mul3A_254 = arith.mulf %dot_general3A_253, %convert_element_type3A_91 : vector<512x128xf32>
    %dot_general3A_255 = arith.constant dense<0.000000e+00> : vector<128x128xf32>
    %dot_general3A_256 = tpu.matmul %convert_element_type3A_99, %mul3A_254, %dot_general3A_255 {dimension_numbers = #tpu.dot_dimension_numbers<[1], [0], [0], [1], [0, 0, 1, 1], [], []>, transpose_lhs_hint = false} : vector<128x512xf32>, vector<512x128xf32>, vector<128x128xf32> -> vector<128x128xf32>
    %swap3A_257 = arith.constant 2176 : index
    %swap3A_258 = arith.constant 0 : index
    %swap3A_259 = vector.load %arg4[%swap3A_257, %swap3A_258] : memref<3328x128xf32, #tpu.memory_space<vmem>>, vector<128x128xf32>
    tpu.vector_store %arg4[%swap3A_257, %swap3A_258], %dot_general3A_256 {strides = array<i32>} : memref<3328x128xf32, #tpu.memory_space<vmem>>, vector<128x128xf32>,
    %slice3A_260 = vector.extract_strided_slice %transpose3A {offsets = [9216, 0], sizes = [512, 32], strides = [1, 1]} : vector<13312x32xf32> to vector<512x32xf32>
    %dot_general3A_261 = arith.constant dense<0.000000e+00> : vector<512x128xf32>
    %dot_general3A_262 = tpu.matmul %slice3A_260, %convert_element_type3A_81, %dot_general3A_261 {dimension_numbers = #tpu.dot_dimension_numbers<[1], [0], [0], [1], [0, 0, 1, 1], [], []>, transpose_lhs_hint = false} : vector<512x32xf32>, vector<32x128xf32>, vector<512x128xf32> -> vector<512x128xf32>
    %mul3A_263 = arith.mulf %dot_general3A_262, %convert_element_type3A_91 : vector<512x128xf32>
    %dot_general3A_264 = arith.constant dense<0.000000e+00> : vector<128x128xf32>
    %dot_general3A_265 = tpu.matmul %convert_element_type3A_99, %mul3A_263, %dot_general3A_264 {dimension_numbers = #tpu.dot_dimension_numbers<[1], [0], [0], [1], [0, 0, 1, 1], [], []>, transpose_lhs_hint = false} : vector<128x512xf32>, vector<512x128xf32>, vector<128x128xf32> -> vector<128x128xf32>
    %swap3A_266 = arith.constant 2304 : index
    %swap3A_267 = arith.constant 0 : index
    %swap3A_268 = vector.load %arg4[%swap3A_266, %swap3A_267] : memref<3328x128xf32, #tpu.memory_space<vmem>>, vector<128x128xf32>
    tpu.vector_store %arg4[%swap3A_266, %swap3A_267], %dot_general3A_265 {strides = array<i32>} : memref<3328x128xf32, #tpu.memory_space<vmem>>, vector<128x128xf32>,
    %slice3A_269 = vector.extract_strided_slice %transpose3A {offsets = [9728, 0], sizes = [512, 32], strides = [1, 1]} : vector<13312x32xf32> to vector<512x32xf32>
    %dot_general3A_270 = arith.constant dense<0.000000e+00> : vector<512x128xf32>
    %dot_general3A_271 = tpu.matmul %slice3A_269, %convert_element_type3A_81, %dot_general3A_270 {dimension_numbers = #tpu.dot_dimension_numbers<[1], [0], [0], [1], [0, 0, 1, 1], [], []>, transpose_lhs_hint = false} : vector<512x32xf32>, vector<32x128xf32>, vector<512x128xf32> -> vector<512x128xf32>
    %mul3A_272 = arith.mulf %dot_general3A_271, %convert_element_type3A_91 : vector<512x128xf32>
    %dot_general3A_273 = arith.constant dense<0.000000e+00> : vector<128x128xf32>
    %dot_general3A_274 = tpu.matmul %convert_element_type3A_99, %mul3A_272, %dot_general3A_273 {dimension_numbers = #tpu.dot_dimension_numbers<[1], [0], [0], [1], [0, 0, 1, 1], [], []>, transpose_lhs_hint = false} : vector<128x512xf32>, vector<512x128xf32>, vector<128x128xf32> -> vector<128x128xf32>
    %swap3A_275 = arith.constant 2432 : index
    %swap3A_276 = arith.constant 0 : index
    %swap3A_277 = vector.load %arg4[%swap3A_275, %swap3A_276] : memref<3328x128xf32, #tpu.memory_space<vmem>>, vector<128x128xf32>
    tpu.vector_store %arg4[%swap3A_275, %swap3A_276], %dot_general3A_274 {strides = array<i32>} : memref<3328x128xf32, #tpu.memory_space<vmem>>, vector<128x128xf32>,
    %slice3A_278 = vector.extract_strided_slice %transpose3A {offsets = [10240, 0], sizes = [512, 32], strides = [1, 1]} : vector<13312x32xf32> to vector<512x32xf32>
    %dot_general3A_279 = arith.constant dense<0.000000e+00> : vector<512x128xf32>
    %dot_general3A_280 = tpu.matmul %slice3A_278, %convert_element_type3A_81, %dot_general3A_279 {dimension_numbers = #tpu.dot_dimension_numbers<[1], [0], [0], [1], [0, 0, 1, 1], [], []>, transpose_lhs_hint = false} : vector<512x32xf32>, vector<32x128xf32>, vector<512x128xf32> -> vector<512x128xf32>
    %mul3A_281 = arith.mulf %dot_general3A_280, %convert_element_type3A_91 : vector<512x128xf32>
    %dot_general3A_282 = arith.constant dense<0.000000e+00> : vector<128x128xf32>
    %dot_general3A_283 = tpu.matmul %convert_element_type3A_99, %mul3A_281, %dot_general3A_282 {dimension_numbers = #tpu.dot_dimension_numbers<[1], [0], [0], [1], [0, 0, 1, 1], [], []>, transpose_lhs_hint = false} : vector<128x512xf32>, vector<512x128xf32>, vector<128x128xf32> -> vector<128x128xf32>
    %swap3A_284 = arith.constant 2560 : index
    %swap3A_285 = arith.constant 0 : index
    %swap3A_286 = vector.load %arg4[%swap3A_284, %swap3A_285] : memref<3328x128xf32, #tpu.memory_space<vmem>>, vector<128x128xf32>
    tpu.vector_store %arg4[%swap3A_284, %swap3A_285], %dot_general3A_283 {strides = array<i32>} : memref<3328x128xf32, #tpu.memory_space<vmem>>, vector<128x128xf32>,
    %slice3A_287 = vector.extract_strided_slice %transpose3A {offsets = [10752, 0], sizes = [512, 32], strides = [1, 1]} : vector<13312x32xf32> to vector<512x32xf32>
    %dot_general3A_288 = arith.constant dense<0.000000e+00> : vector<512x128xf32>
    %dot_general3A_289 = tpu.matmul %slice3A_287, %convert_element_type3A_81, %dot_general3A_288 {dimension_numbers = #tpu.dot_dimension_numbers<[1], [0], [0], [1], [0, 0, 1, 1], [], []>, transpose_lhs_hint = false} : vector<512x32xf32>, vector<32x128xf32>, vector<512x128xf32> -> vector<512x128xf32>
    %mul3A_290 = arith.mulf %dot_general3A_289, %convert_element_type3A_91 : vector<512x128xf32>
    %dot_general3A_291 = arith.constant dense<0.000000e+00> : vector<128x128xf32>
    %dot_general3A_292 = tpu.matmul %convert_element_type3A_99, %mul3A_290, %dot_general3A_291 {dimension_numbers = #tpu.dot_dimension_numbers<[1], [0], [0], [1], [0, 0, 1, 1], [], []>, transpose_lhs_hint = false} : vector<128x512xf32>, vector<512x128xf32>, vector<128x128xf32> -> vector<128x128xf32>
    %swap3A_293 = arith.constant 2688 : index
    %swap3A_294 = arith.constant 0 : index
    %swap3A_295 = vector.load %arg4[%swap3A_293, %swap3A_294] : memref<3328x128xf32, #tpu.memory_space<vmem>>, vector<128x128xf32>
    tpu.vector_store %arg4[%swap3A_293, %swap3A_294], %dot_general3A_292 {strides = array<i32>} : memref<3328x128xf32, #tpu.memory_space<vmem>>, vector<128x128xf32>,
    %slice3A_296 = vector.extract_strided_slice %transpose3A {offsets = [11264, 0], sizes = [512, 32], strides = [1, 1]} : vector<13312x32xf32> to vector<512x32xf32>
    %dot_general3A_297 = arith.constant dense<0.000000e+00> : vector<512x128xf32>
    %dot_general3A_298 = tpu.matmul %slice3A_296, %convert_element_type3A_81, %dot_general3A_297 {dimension_numbers = #tpu.dot_dimension_numbers<[1], [0], [0], [1], [0, 0, 1, 1], [], []>, transpose_lhs_hint = false} : vector<512x32xf32>, vector<32x128xf32>, vector<512x128xf32> -> vector<512x128xf32>
    %mul3A_299 = arith.mulf %dot_general3A_298, %convert_element_type3A_91 : vector<512x128xf32>
    %dot_general3A_300 = arith.constant dense<0.000000e+00> : vector<128x128xf32>
    %dot_general3A_301 = tpu.matmul %convert_element_type3A_99, %mul3A_299, %dot_general3A_300 {dimension_numbers = #tpu.dot_dimension_numbers<[1], [0], [0], [1], [0, 0, 1, 1], [], []>, transpose_lhs_hint = false} : vector<128x512xf32>, vector<512x128xf32>, vector<128x128xf32> -> vector<128x128xf32>
    %swap3A_302 = arith.constant 2816 : index
    %swap3A_303 = arith.constant 0 : index
    %swap3A_304 = vector.load %arg4[%swap3A_302, %swap3A_303] : memref<3328x128xf32, #tpu.memory_space<vmem>>, vector<128x128xf32>
    tpu.vector_store %arg4[%swap3A_302, %swap3A_303], %dot_general3A_301 {strides = array<i32>} : memref<3328x128xf32, #tpu.memory_space<vmem>>, vector<128x128xf32>,
    %slice3A_305 = vector.extract_strided_slice %transpose3A {offsets = [11776, 0], sizes = [512, 32], strides = [1, 1]} : vector<13312x32xf32> to vector<512x32xf32>
    %dot_general3A_306 = arith.constant dense<0.000000e+00> : vector<512x128xf32>
    %dot_general3A_307 = tpu.matmul %slice3A_305, %convert_element_type3A_81, %dot_general3A_306 {dimension_numbers = #tpu.dot_dimension_numbers<[1], [0], [0], [1], [0, 0, 1, 1], [], []>, transpose_lhs_hint = false} : vector<512x32xf32>, vector<32x128xf32>, vector<512x128xf32> -> vector<512x128xf32>
    %mul3A_308 = arith.mulf %dot_general3A_307, %convert_element_type3A_91 : vector<512x128xf32>
    %dot_general3A_309 = arith.constant dense<0.000000e+00> : vector<128x128xf32>
    %dot_general3A_310 = tpu.matmul %convert_element_type3A_99, %mul3A_308, %dot_general3A_309 {dimension_numbers = #tpu.dot_dimension_numbers<[1], [0], [0], [1], [0, 0, 1, 1], [], []>, transpose_lhs_hint = false} : vector<128x512xf32>, vector<512x128xf32>, vector<128x128xf32> -> vector<128x128xf32>
    %swap3A_311 = arith.constant 2944 : index
    %swap3A_312 = arith.constant 0 : index
    %swap3A_313 = vector.load %arg4[%swap3A_311, %swap3A_312] : memref<3328x128xf32, #tpu.memory_space<vmem>>, vector<128x128xf32>
    tpu.vector_store %arg4[%swap3A_311, %swap3A_312], %dot_general3A_310 {strides = array<i32>} : memref<3328x128xf32, #tpu.memory_space<vmem>>, vector<128x128xf32>,
    %slice3A_314 = vector.extract_strided_slice %transpose3A {offsets = [12288, 0], sizes = [512, 32], strides = [1, 1]} : vector<13312x32xf32> to vector<512x32xf32>
    %dot_general3A_315 = arith.constant dense<0.000000e+00> : vector<512x128xf32>
    %dot_general3A_316 = tpu.matmul %slice3A_314, %convert_element_type3A_81, %dot_general3A_315 {dimension_numbers = #tpu.dot_dimension_numbers<[1], [0], [0], [1], [0, 0, 1, 1], [], []>, transpose_lhs_hint = false} : vector<512x32xf32>, vector<32x128xf32>, vector<512x128xf32> -> vector<512x128xf32>
    %mul3A_317 = arith.mulf %dot_general3A_316, %convert_element_type3A_91 : vector<512x128xf32>
    %dot_general3A_318 = arith.constant dense<0.000000e+00> : vector<128x128xf32>
    %dot_general3A_319 = tpu.matmul %convert_element_type3A_99, %mul3A_317, %dot_general3A_318 {dimension_numbers = #tpu.dot_dimension_numbers<[1], [0], [0], [1], [0, 0, 1, 1], [], []>, transpose_lhs_hint = false} : vector<128x512xf32>, vector<512x128xf32>, vector<128x128xf32> -> vector<128x128xf32>
    %swap3A_320 = arith.constant 3072 : index
    %swap3A_321 = arith.constant 0 : index
    %swap3A_322 = vector.load %arg4[%swap3A_320, %swap3A_321] : memref<3328x128xf32, #tpu.memory_space<vmem>>, vector<128x128xf32>
    tpu.vector_store %arg4[%swap3A_320, %swap3A_321], %dot_general3A_319 {strides = array<i32>} : memref<3328x128xf32, #tpu.memory_space<vmem>>, vector<128x128xf32>,
    %slice3A_323 = vector.extract_strided_slice %transpose3A {offsets = [12800, 0], sizes = [512, 32], strides = [1, 1]} : vector<13312x32xf32> to vector<512x32xf32>
    %dot_general3A_324 = arith.constant dense<0.000000e+00> : vector<512x128xf32>
    %dot_general3A_325 = tpu.matmul %slice3A_323, %convert_element_type3A_81, %dot_general3A_324 {dimension_numbers = #tpu.dot_dimension_numbers<[1], [0], [0], [1], [0, 0, 1, 1], [], []>, transpose_lhs_hint = false} : vector<512x32xf32>, vector<32x128xf32>, vector<512x128xf32> -> vector<512x128xf32>
    %mul3A_326 = arith.mulf %dot_general3A_325, %convert_element_type3A_91 : vector<512x128xf32>
    %dot_general3A_327 = arith.constant dense<0.000000e+00> : vector<128x128xf32>
    %dot_general3A_328 = tpu.matmul %convert_element_type3A_99, %mul3A_326, %dot_general3A_327 {dimension_numbers = #tpu.dot_dimension_numbers<[1], [0], [0], [1], [0, 0, 1, 1], [], []>, transpose_lhs_hint = false} : vector<128x512xf32>, vector<512x128xf32>, vector<128x128xf32> -> vector<128x128xf32>
    %swap3A_329 = arith.constant 3200 : index
    %swap3A_330 = arith.constant 0 : index
    %swap3A_331 = vector.load %arg4[%swap3A_329, %swap3A_330] : memref<3328x128xf32, #tpu.memory_space<vmem>>, vector<128x128xf32>
    tpu.vector_store %arg4[%swap3A_329, %swap3A_330], %dot_general3A_328 {strides = array<i32>} : memref<3328x128xf32, #tpu.memory_space<vmem>>, vector<128x128xf32>,
    return
  }
  func.func @transform_0(%arg0: i32) -> (i32, i32) {
    %sub3A = arith.constant 1 : i32
    %sub3A_0 = arith.subi %arg0, %sub3A : i32
    %max3A = arith.constant 0 : i32
    %max3A_1 = arith.maxsi %sub3A_0, %max3A : i32
    %c0_i32 = arith.constant 0 : i32
    %c0_i32_2 = arith.constant 0 : i32
    return %c0_i32, %max3A_1 : i32, i32
  }
  func.func @transform_1(%arg0: i32) -> (i32, i32) {
    %c0_i32 = arith.constant 0 : i32
    %c0_i32_0 = arith.constant 0 : i32
    return %c0_i32, %arg0 : i32, i32
  }
  func.func @transform_2(%arg0: i32) -> (i32, i32) {
    %add3A = arith.constant 1 : i32
    %add3A_0 = arith.addi %arg0, %add3A : i32
    %min3A = arith.constant 75 : i32
    %min3A_1 = arith.minsi %add3A_0, %min3A : i32
    %c0_i32 = arith.constant 0 : i32
    %c0_i32_2 = arith.constant 0 : i32
    return %c0_i32, %min3A_1 : i32, i32
  }
  func.func @transform_3(%arg0: i32) -> (i32, i32) {
    %c0_i32 = arith.constant 0 : i32
    %c0_i32_0 = arith.constant 0 : i32
    return %arg0, %c0_i32 : i32, i32
  }
}

</mosaic_0001>

<sc_bundles>
// kernel: kernel.4.cloned.1.call-start
scs
__scs_entry_jumppad:
0x0: {  	(pc) =	sbr.rel $0x88, $3  }
0x1: {  	(tag) =	ssettag $0x0;
	lr =	simm.s32 $0x1  }
0x2: {  	[smem:$0x3F9F] =	sst lr;
	_ =	strace $0xD0000000  }
0x3: {  	_ = 	snop  }
0x4: {  	_ = 	snop  }
0x5: {  	_ = 	snop  }
0x6: {  	_ = 	snop  }
0x7: {  	_ = 	snop  }
__scs_overlays_trampoline_lowered:
0x8: {  	[smem:$0x3FAE] =	sst s0  }
0x9: {  	[smem:$0x3FAF] =	sst s1  }
0xa: {  	[smem:$0x3FB0] =	sst s2  }
0xb: {  	[smem:$0x3FB1] =	sst s3  }
0xc: {  	[smem:$0x3FB2] =	sst s4  }
0xd: {  	[smem:$0x3FB3] =	sst s5  }
0xe: {  	[smem:$0x3FB4] =	sst s6  }
0xf: {  	[smem:$0x3FB5] =	sst s7  }
0x10: {  	[smem:$0x3FB6] =	sst s8  }
0x11: {  	[smem:$0x3FB7] =	sst s9;
	s0 =	simm.s32 @!p0 $0x0  }
0x12: {  	s1 =	sld [smem:$0x3F9D];
	s0 =	simm.s32 @p0 $0x1  }
0x13: {  	[smem:$0x3FB8] =	sst s0;
	s0 =	simm.s32 @!p1 $0x0  }
0x14: {  	s2 =	sld [smem:$0x3F9C];
	s0 =	simm.s32 @p1 $0x1  }
0x15: {  	[smem:$0x3FB9] =	sst s0;
	s0 =	simm.s32 @!p2 $0x0  }
0x16: {  	s3 =	sld [smem:$0x3FDB];
	s0 =	simm.s32 @p2 $0x1  }
0x17: {  	s4 =	simm.s32 $0x1BF5;
	[smem:$0x3FBB] =	sst s0  }
0x18: {  	s0 =	sld [smem:$0x3F9E];
	_ =	swait.ge [sflag:s4], $0x0  }
0x19: {  	s7 =	sld [smem:$0x3F9F]  }
0x1a: {  	s8 =	sadd.s32 $0xFFFFE003, lr  }
0x1b: {  	s9 =	sadd.s32 $0xFFFFFEF7, lr;
	s5 =	simm.s32 $0xFFFFFFFF;
	p2 =	slt.u32 s8, $0xFFFFF086  }
0x1c: {  	p1 =	slt.u32 s9, $0xF7A;
	s5 =	simm.s32 @!p2 $0x0  }
0x1d: {  	s5 =	simm.s32 @p1 $0x1;
	p0 =	seq.s32 s7, s2  }
0x1e: {  	s7 =	smul.u32 @!p0 $0xF7A, s2;
	p2 =	seq.s32 @!p0 s5, $0x0  }
0x1f: {  	s9 =	smul.u32 $0xF7A, s1;
	s8 =	simm.s32 @!p0 $0x1BF5;
	p2 =	por !p2, p0  }
0x20: {  	[sflag:s8] =	ssyncset.s32 @!p0 $0xFFFFF086;
	s6 =	sadd.s32 @!p0 s3, s7;
	s7 =	simm.s32 @!p0 $0x108  }
0x21: {  	s3 =	sadd.s32 s3, s9;
	s6 =	sadd.s32 @!p0 $0x88, s6;
	s7 =	simm.s32 @p2 $0x1082  }
0x22: {  	[simem:s7], [sflag:s8] =	dma.local @!p0 [hbm:s6], $0xF7A  }
0x23: {  	s9 =	sor.u32 $0xD0000000, s2;
	s6 =	simm.s32 $0x108;
	_ =	swait.ge @!p0 [sflag:s8], $0x0  }
0x24: {  	s3 =	sadd.s32 $0x88, s3;
	s6 =	simm.s32 @!p1 $0x1082;
	[sflag:s4] =	ssyncset.s32 $0xFFFFF086  }
0x25: {  	[simem:s6], [sflag:s4] =	dma.local [hbm:s3], $0xF7A  }
0x26: {  	[smem:$0x3F9F] =	sst s1;
	(tag) =	ssettag s2;
	_ =	strace s9  }
0x27: {  	s1 =	sld [smem:$0x3FAF]  }
0x28: {  	s2 =	sld [smem:$0x3FB0]  }
0x29: {  	s4 =	sld [smem:$0x3FB2]  }
0x2a: {  	p0 =	seq.s32 s5, $0x0;
	s5 =	sld [smem:$0x3FB3]  }
0x2b: {  	s6 =	sld [smem:$0x3FB4]  }
0x2c: {  	s7 =	sld [smem:$0x3FB5]  }
0x2d: {  	s3 =	simm.s32 $0x108;
	s8 =	sld [smem:$0x3FB6]  }
0x2e: {  	s3 =	simm.s32 @!p0 $0x1082;
	s9 =	sld [smem:$0x3FB7]  }
0x2f: {  	lr =	sadd.s32 s0, s3;
	s0 =	sld [smem:$0x3FAE]  }
0x30: {  	s3 =	sld [smem:$0x3FB1]  }
0x31: {  	[smem:$0x3FBA] =	sst s10  }
0x32: {  	s10 =	sld [smem:$0x3FB8];
	_ =	sdelay $0x3  }
0x33: {  	p0 =	seq.s32 s10, $0x1;
	s10 =	sld [smem:$0x3FBA];
	_ =	sdelay $0x3  }
0x34: {  	[smem:$0x3FBA] =	sst s10  }
0x35: {  	s10 =	sld [smem:$0x3FB9];
	_ =	sdelay $0x3  }
0x36: {  	p1 =	seq.s32 s10, $0x1;
	s10 =	sld [smem:$0x3FBA];
	_ =	sdelay $0x3  }
0x37: {  	[smem:$0x3FBA] =	sst s10  }
0x38: {  	s10 =	sld [smem:$0x3FBB]  }
0x39: {  	_ = 	snop;
	(pc) =	sbr.ind lr, $3  }
0x3a: {  	_ = 	snop  }
0x3b: {  	_ = 	snop  }
0x3c: {  	p2 =	seq.s32 s10, $0x1;
	s10 =	sld [smem:$0x3FBA]  }
0x3d: {  	_ =	shalt  }
0x3e: {  	_ =	shalt  }
0x3f: {  	_ =	shalt  }
0x40: {  	_ =	shalt  }
0x41: {  	_ =	shalt  }
0x42: {  	_ =	shalt  }
0x43: {  	_ =	shalt  }
0x44: {  	_ =	shalt  }
0x45: {  	_ =	shalt  }
0x46: {  	_ =	shalt  }
0x47: {  	_ =	shalt  }
0x48: {  	_ =	shalt  }
0x49: {  	_ =	shalt  }
0x4a: {  	_ =	shalt  }
0x4b: {  	_ =	shalt  }
0x4c: {  	_ =	shalt  }
0x4d: {  	_ =	shalt  }
0x4e: {  	_ =	shalt  }
0x4f: {  	_ =	shalt  }
0x50: {  	_ =	shalt  }
0x51: {  	_ =	shalt  }
0x52: {  	_ =	shalt  }
0x53: {  	_ =	shalt  }
0x54: {  	_ =	shalt  }
0x55: {  	_ =	shalt  }
0x56: {  	_ =	shalt  }
0x57: {  	_ =	shalt  }
0x58: {  	_ =	shalt  }
0x59: {  	_ =	shalt  }
0x5a: {  	_ =	shalt  }
0x5b: {  	_ =	shalt  }
0x5c: {  	_ =	shalt  }
0x5d: {  	_ =	shalt  }
0x5e: {  	_ =	shalt  }
0x5f: {  	_ =	shalt  }
0x60: {  	_ =	shalt  }
0x61: {  	_ =	shalt  }
0x62: {  	_ =	shalt  }
0x63: {  	_ =	shalt  }
0x64: {  	_ =	shalt  }
0x65: {  	_ =	shalt  }
0x66: {  	_ =	shalt  }
0x67: {  	_ =	shalt  }
0x68: {  	_ =	shalt  }
0x69: {  	_ =	shalt  }
0x6a: {  	_ =	shalt  }
0x6b: {  	_ =	shalt  }
0x6c: {  	_ =	shalt  }
0x6d: {  	_ =	shalt  }
0x6e: {  	_ =	shalt  }
0x6f: {  	_ =	shalt  }
0x70: {  	_ =	shalt  }
0x71: {  	_ =	shalt  }
0x72: {  	_ =	shalt  }
0x73: {  	_ =	shalt  }
0x74: {  	_ =	shalt  }
0x75: {  	_ =	shalt  }
0x76: {  	_ =	shalt  }
0x77: {  	_ =	shalt  }
0x78: {  	_ =	shalt  }
0x79: {  	_ =	shalt  }
0x7a: {  	_ =	shalt  }
0x7b: {  	_ =	shalt  }
0x7c: {  	_ =	shalt  }
0x7d: {  	_ =	shalt  }
0x7e: {  	_ =	shalt  }
0x7f: {  	_ =	shalt  }
0x80: {  	_ =	shalt  }
0x81: {  	_ =	shalt  }
0x82: {  	_ =	shalt  }
0x83: {  	_ =	shalt  }
0x84: {  	_ =	shalt  }
0x85: {  	_ =	shalt  }
0x86: {  	_ =	shalt  }
0x87: {  	_ =	shalt  }
.Lfunc_end0:
.L_simem_size_0:
called_computation_lowered:
.L_overlay_start_0:
0x88: {  	s2 =	sld [smem:$0x3FD9]  }
0x89: {  	s3 =	sld [smem:$0x3FFE];
	_ =	sdelay $0x1  }
0x8a: {  	s1 =	srdreg.scid  }
0x8b: {  	s0 =	sand.u32 $0x1, s1  }
0x8c: {  	s17 =	sshll.u32 s0, $0xA;
	s2 =	sadd.s32 s3, s2  }
0x8d: {  	s2 =	sadd.s32 s2, s17  }
0x8e: {  	[smem:$0x3FC6] =	sst s2  }
0x8f: {  	_ = 	snop  }
0x90: {  	s2 =	sld [smem:$0x3FD0];
	(tm) =	ssettm $0x1  }
0x91: {  	s18 =	sld [smem:$0x3FFB];
	_ =	sdelay $0x3  }
0x92: {  	_ =	strace s18  }
0x93: {  	s3 =	sld [smem:$0x3FFC];
	_ =	sdelay $0x3  }
0x94: {  	_ =	strace s3  }
0x95: {  	s3 =	sld [smem:$0x3FFD];
	_ =	sdelay $0x3  }
0x96: {  	_ =	strace s3  }
0x97: {  	_ =	strace $0x8FFFFFFF  }
0x98: {  	s19 =	sld [smem:$0x3FDB];
	_ =	sdelay $0x1  }
0x99: {  	s4 =	simm.s32 $_scs_section_size  }
0x9a: {  	s5 =	simm.s32 $_size__tile_overlayer_lowered;
	s6 =	simm.s32 $_tile_overlayer_lowered  }
0x9b: {  	s22 =	simm.s32 $0x1BFF;
	s21 =	sshll.u32 s6, $0x1;
	s3 =	sadd.s32 s4, s19  }
0x9c: {  	s7 =	simm.s32 $0x0;
	s20 =	sshll.u32 s5, $0x1;
	s5 =	sadd.s32 s21, s3  }
0x9d: {  	[timem:s7], [sflag:s22] =	dma.local [hbm:s5], s20  }
0x9e: {  	_ =	swait.ge [sflag:s22], s20  }
0x9f: {  	s4 =	ssub.s32 $0x0, s20;
	[sflag:s22] =	ssyncset.done $0x0  }
0xa0: {  	[sflag:s22] =	ssyncadd.s32 s4;
	_ =	sdelay $0x1  }
0xa1: {  	s23 =	simm.s32 $0x1B8B  }
0xa2: {  	_ =	swait.ge [sflag:s23], $0x1  }
0xa3: {  	[sflag:s23] =	ssyncset.done $0x0  }
0xa4: {  	s25 =	simm.s32 $0x1B8E;
	s24 =	sld [smem:$0x3FFE];
	[sflag:s23] =	ssyncadd.s32 $0xFFFFFFFF  }
0xa5: {  	s26 =	simm.s32 $execute0_lowered;
	[smem:$0x3FD2] =	sst s25  }
0xa6: {  	s5 =	sshll.u32 s26, $0x1;
	_ =	strace $0x80000046;
	[dreg:$0x1] =	wrdreg $0xFFFFFFFF  }
0xa7: {  	s28 =	simm.s32 $_size_execute0_lowered;
	s3 =	sadd.s32 s3, s5;
	[dreg:$0x0] =	wrdreg $0x0  }
0xa8: {  	s5 =	sshll.u32 s28, $0x1;
	[dreg:$0x2] =	wrdreg s3  }
0xa9: {  	[dreg:$0x3] =	wrdreg s5  }
0xaa: {  	[dreg:$0x4] =	wrdreg $0xC0  }
0xab: {  	_ =	task [dreg:s7], $0x5FFFF  }
0xac: {  	[dreg:$0x1] =	wrdreg $0xFFFFFFFF  }
0xad: {  	[dreg:$0x0] =	wrdreg $0x60  }
0xae: {  	[dreg:$0x2] =	wrdreg s24  }
0xaf: {  	[dreg:$0x3] =	wrdreg s2  }
0xb0: {  	[dreg:$0x4] =	wrdreg $0x9  }
0xb1: {  	_ =	task.clear_ibuf [dreg:s7], $0x5FFFF;
	_ =	strace $0x90000046  }
0xb2: {  	s29 =	simm.s32 $0x9;
	_ =	strace $0x80000048  }
0xb3: {  	_ =	swait.ge [sflag:s29], $0x1  }
0xb4: {  	[sflag:s29] =	ssyncadd.s32 $0xFFFFFFFF  }
0xb5: {  	_ =	strace $0x90000048  }
0xb6: {  	_ =	sfence  }
0xb7: {  	s30 =	sld [smem:$0x0];
	_ =	sdelay $0x2  }
0xb8: {  	s31 =	sshll.u32 s1, $0xD;
	s1 =	sshrl.u32 s1, $0x2  }
0xb9: {  	s3 =	sand.u32 $0x4000, s31;
	s1 =	sadd.s32 s1, s30  }
0xba: {  	s0 =	sor.u32 s3, s0;
	s1 =	sshll.u32 s1, $0x11  }
0xbb: {  	s0 =	sor.u32 s1, s0  }
0xbc: {  	s0 =	sadd.s32 $0x8F2B, s0  }
0xbd: {  	[sflag:s0] =	ssyncadd.remote.s32 $0x1  }
0xbe: {  	_ =	sfence.sel $0xFFFF  }
0xbf: {  	[dreg:$0x0] =	wrdreg $0xFFFFFFFF;
	(pc) =	sbr.abs _section_cstart, $3  }
0xc0: {  	[dreg:$0x1] =	wrdreg $0xFFFFFFFF  }
0xc1: {  	_ =	task.clear_ibuf [dreg:s7], $0x2FFFF;
	_ =	strace $0x9FFFFFFF  }
0xc2: {  	(tm) =	ssettm $0x7FFFFFFF  }
0xc3: {  	_ =	shalt  }
tec
execute0_lowered:
.L_overlay_start_1:
0x0: {  	(tag) =	ssettag $0x1  }
0x1: {  	s4 =	rddreg [dreg:$0x0];
	s1 =	srdreg.scid  }
0x2: {  	s0 =	stileid.u32;
	s2 =	rddreg [dreg:$0x1];
	s3 =	simm.s32 $0x0  }
0x3: {  	s9 =	simm.s32 $0x60;
	s10 =	simm.s32 $0x1910;
	s11 =	simm.s32 $0x1AB0  }
0x4: {  	s12 =	simm.s32 $0x70;
	s13 =	simm.s32 $0x1970;
	s14 =	simm.s32 $0x26B0  }
0x5: {  	s15 =	simm.s32 $0x19E0;
	s16 =	simm.s32 $0x34B0;
	s17 =	simm.s32 $0x1A40  }
0x6: {  	s18 =	simm.s32 $0x40B0;
	s19 =	simm.s32 $0x1;
	s20 =	simm.s32 $0x2  }
0x7: {  	s21 =	simm.s32 $0x3;
	s5 =	sand.u32 $0x1, s1;
	s6 =	sshll.u32 s0, $0x1  }
.Ltmp0:
0x8: {  	s6 =	sor.u32 s5, s6;
	s5 =	ssub.s32 $0x2, s5;
	(pc) =	sbr.rel .LBB2_1-.Ltmp0, $4  }
0x9: {  	[smem:$0x7FF] =	sst s3;
	s7 =	smul.u32 $0x320, s6;
	s8 =	sshrl.u32 s5, $0x1  }
0xa: {  	s22 =	simm.s32 $0x0;
	_ =	strace $0x80000047;
	s8 =	ssub.s32 s5, s8  }
0xb: {  	s5 =	sshll.u32 s6, $0x5;
	s7 =	sadd.s32 s7, s4;
	s4 =	sadd.s32 $0x6800, s4  }
0xc: {  	v0 =	vimm.f32 $0.0e+00;
	s6 =	sadd.s32 $0x400, s7;
	s7 =	smax.u32 s8, $0x1;
	s8 =	simm.s32 $0x4  }
.LBB2_12:
0xd: {  	s22 =	sadd.s32 $0x1, s22  }
0xe: {  	p0 =	sne.s32 s22, s7  }
.Ltmp1:
0xf: {  	_ = 	snop;
	(pc) =	sbr.rel @!p0 .LBB2_13-.Ltmp1, $1  }
0x10: {  	_ =	sdelay $0x3  }
.LBB2_1:
0x11: {  	[tilespmem:s3], [sflag:$0x4] =	stream.linear.gather [hbm4b:s6+s3], $0x1900, $0x38;
	[tilespmem:$0x4EB0] =	vst v63  }
0x12: {  	_ =	swait.ge [sflag:s8], $0x1900  }
0x13: {  	[sflag:s8] =	ssyncset.done $0x0  }
0x14: {  	[sflag:s8] =	ssyncadd.s32 $0xFFFFE700  }
0x15: {  	s23 =	simm.s32 $0x0;
	[tilespmem:$0x1900] =	vst v0  }
0x16: {  	v1 =	vld [tilespmem:s23+$0x0];
	_ =	sdelay $0x4  }
0x17: {  	v1 =	vtrunc.f32 v1  }
0x18: {  	v1 =	vcvt.f32.s32 v1;
	_ =	sdelay $0x1  }
0x19: {  	s24 =	simm.s32 $0x10;
	vm0 =	vgt.s32 v1, $0x0  }
0x1a: {  	v2 =	vnsel vm0, $0x0, v1;
	v1 =	vld [tilespmem:s24+$0x0];
	_ =	sdelay $0x3  }
0x1b: {  	s25 =	simm.s32 $0x80;
	v2 =	vmin.u32 v2, $0xF423F  }
.LBB2_2:
0x1c: {  	s26 =	sshra.s32 s25, $0x2;
	p0 =	sne.s32 s25, $0x300;
	s25 =	sadd.s32 $0x40, s25;
	v3 =	vtrunc.f32 v1;
	[tilespmem:s23+$0x1910] =	vst v2  }
.Ltmp2:
0x1d: {  	s23 =	smov.u32 s24;
	v1 =	vld [tilespmem:s26+$0x0];
	v2 =	vcvt.f32.s32 v3;
	s24 =	smov.u32 s26;
	(pc) =	sbr.rel @p0 .LBB2_2-.Ltmp2, $4  }
0x1e: {  	_ = 	snop  }
0x1f: {  	vm0 =	vgt.s32 v2, $0x0  }
0x20: {  	v2 =	vnsel vm0, $0x0, v2  }
0x21: {  	v2 =	vmin.u32 v2, $0xF423F  }
0x22: {  	v1 =	vtrunc.f32 v1  }
0x23: {  	v1 =	vcvt.f32.s32 v1;
	_ =	sdelay $0x1  }
0x24: {  	vm0 =	vgt.s32 v1, $0x0  }
0x25: {  	v1 =	vnsel vm0, $0x0, v1  }
0x26: {  	[tilespmem:s23+$0x1910] =	vst v2;
	v1 =	vmin.u32 v1, $0xF423F  }
0x27: {  	[tilespmem:s24+$0x1910] =	vst v1  }
0x28: {  	[tilespmem:s11], [sflag:$0x1] =	stream.indirect.gather [hbm4b:s4+s9], $0x20, s10, s9, $0xb8;
	[tilespmem:$0x4EB0] =	vst v63  }
0x29: {  	s23 =	simm.s32 $0x0;
	s25 =	simm.s32 $0x190;
	s24 =	simm.s32 $0xC8  }
0x2a: {  	[tilespmem:s14], [sflag:$0x1] =	stream.indirect.gather [hbm4b:s4+s12], $0x20, s13, s12, $0xb8;
	[tilespmem:$0x4EB0] =	vst v63  }
.LBB2_4:
0x2b: {  	v1 =	vmov s24;
	_ =	sdelay $0x3  }
0x2c: {  	s29 =	simm.s32 $0x0  }
0x2d: {  	v2 =	vld.idx.msk [tilespmem:v1+s29+$0x0 ss:$0x1], $0xffff;
	_ =	sdelay $0x4  }
0x2e: {  	s30 =	simm.s32 $0x10;
	v2 =	vtrunc.f32 v2  }
0x2f: {  	v3 =	vcvt.f32.s32 v2;
	v2 =	vld.idx.msk [tilespmem:v1+s30+$0x0 ss:$0x1], $0xffff;
	_ =	sdelay $0x1  }
0x30: {  	vm0 =	vgt.s32 v3, $0x0  }
0x31: {  	s28 =	sshll.u32 s23, $0x1;
	s26 =	sshllo.u32 s23, $0x1;
	s31 =	simm.s32 $0x80;
	v3 =	vnsel vm0, $0x0, v3  }
.LBB2_5:
0x32: {  	s1 =	sshra.s32 s31, $0x2;
	p0 =	sne.s32 s31, $0x300;
	s31 =	sadd.s32 $0x40, s31;
	v3 =	vmin.u32 v3, $0xF423F  }
.Ltmp3:
0x33: {  	v4 =	vtrunc.f32 v2;
	v2 =	vld.idx.msk [tilespmem:v1+s1+$0x0 ss:$0x1], $0xffff;
	[tilespmem:s29+$0x19E0] =	vst v3;
	s29 =	smov.u32 s30;
	s30 =	smov.u32 s1;
	(pc) =	sbr.rel @p0 .LBB2_5-.Ltmp3, $3  }
0x34: {  	v3 =	vcvt.f32.s32 v4;
	_ =	sdelay $0x1  }
0x35: {  	vm0 =	vgt.s32 v3, $0x0  }
0x36: {  	v3 =	vnsel vm0, $0x0, v3  }
0x37: {  	v1 =	vtrunc.f32 v2  }
0x38: {  	v1 =	vcvt.f32.s32 v1;
	_ =	sdelay $0x1  }
0x39: {  	vm0 =	vgt.s32 v1, $0x0  }
0x3a: {  	v2 =	vmin.u32 v3, $0xF423F;
	v1 =	vnsel vm0, $0x0, v1  }
0x3b: {  	[tilespmem:s29+$0x19E0] =	vst v2;
	v1 =	vmin.u32 v1, $0xF423F  }
0x3c: {  	[tilespmem:s30+$0x19E0] =	vst v1  }
0x3d: {  	[tilespmem:s16], [sflag:$0x2] =	stream.indirect.gather [hbm4b:s4+s9], $0x20, s15, s9, $0xb8;
	[tilespmem:$0x4EB0] =	vst v63  }
0x3e: {  	_ = 	snop  }
0x3f: {  	[tilespmem:s18], [sflag:$0x2] =	stream.indirect.gather [hbm4b:s4+s12], $0x20, s17, s12, $0xb8;
	[tilespmem:$0x4EB0] =	vst v63  }
0x40: {  	_ =	swait.ge [sflag:s19], $0xC00  }
0x41: {  	p0 =	seq.s32 s23, $0xF;
	[sflag:s19] =	ssyncset.done $0x0  }
.Ltmp4:
0x42: {  	s1 =	sadd.s32 s5, s28;
	[sflag:s19] =	ssyncadd.s32 $0xFFFFF400;
	(pc) =	sbr.rel @p0 .LBB2_10-.Ltmp4, $4  }
0x43: {  	s1 =	smul.u32 $0x320, s1;
	_ =	swait.ge [sflag:s19], $0xE00  }
0x44: {  	[sflag:s19] =	ssyncset.done $0x0  }
0x45: {  	s31 =	simm.s32 $0x0;
	s1 =	sadd.s32 s2, s1;
	[sflag:s19] =	ssyncadd.s32 $0xFFFFF200  }
0x46: {  	[hbm4b:s1+s31] =	stream.linear.scatter [tilespmem:s11], [sflag:$0x3], $0x1900, $0x38;
	[tilespmem:$0x4EB0] =	vst v63  }
0x47: {  	s1 =	sadd.s32 $0x0, s25  }
0x48: {  	v1 =	vld [tilespmem:s1+$0x0];
	_ =	sdelay $0x4  }
0x49: {  	s31 =	sadd.s32 $0x10, s25;
	v1 =	vtrunc.f32 v1  }
0x4a: {  	v2 =	vcvt.f32.s32 v1;
	v1 =	vld [tilespmem:s31+$0x0];
	_ =	sdelay $0x1  }
0x4b: {  	vm0 =	vgt.s32 v2, $0x0  }
0x4c: {  	s28 =	simm.s32 $0x0;
	s29 =	simm.s32 $0x10;
	s30 =	simm.s32 $0x80;
	v2 =	vnsel vm0, $0x0, v2  }
.LBB2_8:
0x4d: {  	s1 =	sshra.s32 s30, $0x2;
	p1 =	sne.s32 s30, $0x300;
	s30 =	sadd.s32 $0x40, s30;
	v2 =	vmin.u32 v2, $0xF423F  }
.Ltmp5:
0x4e: {  	s31 =	sadd.s32 s1, s25;
	v3 =	vtrunc.f32 v1;
	[tilespmem:s28+$0x1910] =	vst v2;
	s28 =	smov.u32 s29;
	(pc) =	sbr.rel @p1 .LBB2_8-.Ltmp5, $3  }
0x4f: {  	s29 =	smov.u32 s1;
	v1 =	vld [tilespmem:s31+$0x0];
	v2 =	vcvt.f32.s32 v3;
	_ =	sdelay $0x1  }
0x50: {  	vm0 =	vgt.s32 v2, $0x0  }
0x51: {  	v2 =	vnsel vm0, $0x0, v2  }
0x52: {  	_ = 	snop  }
0x53: {  	v1 =	vtrunc.f32 v1  }
0x54: {  	v1 =	vcvt.f32.s32 v1;
	_ =	sdelay $0x1  }
0x55: {  	vm0 =	vgt.s32 v1, $0x0  }
0x56: {  	v2 =	vmin.u32 v2, $0xF423F;
	v1 =	vnsel vm0, $0x0, v1  }
0x57: {  	[tilespmem:s28+$0x1910] =	vst v2;
	v1 =	vmin.u32 v1, $0xF423F  }
0x58: {  	[tilespmem:s29+$0x1910] =	vst v1  }
.LBB2_10:
0x59: {  	_ =	swait.ge [sflag:s20], $0xC00  }
0x5a: {  	[sflag:s20] =	ssyncset.done $0x0  }
0x5b: {  	s1 =	sadd.s32 s5, s26;
	[sflag:s20] =	ssyncadd.s32 $0xFFFFF400  }
0x5c: {  	s1 =	smul.u32 $0x320, s1;
	_ =	swait.ge [sflag:s20], $0xE00  }
0x5d: {  	[sflag:s20] =	ssyncset.done $0x0  }
0x5e: {  	s1 =	sadd.s32 s2, s1;
	[sflag:s20] =	ssyncadd.s32 $0xFFFFF200  }
0x5f: {  	[hbm4b:s1+s3] =	stream.linear.scatter [tilespmem:s16], [sflag:$0x3], $0x1900, $0x38;
	[tilespmem:$0x4EB0] =	vst v63  }
0x60: {  	_ =	swait.ge [sflag:s21], $0x1900  }
.Ltmp6:
0x61: {  	[sflag:s21] =	ssyncset.done $0x0;
	(pc) =	sbr.rel @p0 .LBB2_12-.Ltmp6, $4  }
0x62: {  	[sflag:s21] =	ssyncadd.s32 $0xFFFFE700  }
0x63: {  	_ =	swait.ge [sflag:s21], $0x1900  }
0x64: {  	[sflag:s21] =	ssyncset.done $0x0  }
0x65: {  	[sflag:s21] =	ssyncadd.s32 $0xFFFFE700  }
.Ltmp7:
0x66: {  	(pc) =	sbr.rel .LBB2_4-.Ltmp7, $4  }
0x67: {  	_ = 	snop  }
0x68: {  	[tilespmem:s11], [sflag:$0x1] =	stream.indirect.gather [hbm4b:s4+s9], $0x20, s10, s9, $0xb8;
	[tilespmem:$0x4EB0] =	vst v63  }
0x69: {  	s23 =	sadd.s32 $0x1, s23;
	s24 =	sadd.s32 $0x190, s24;
	s25 =	sadd.s32 $0x190, s25  }
0x6a: {  	[tilespmem:s14], [sflag:$0x1] =	stream.indirect.gather [hbm4b:s4+s12], $0x20, s13, s12, $0xb8;
	[tilespmem:$0x4EB0] =	vst v63  }
.LBB2_13:
0x6b: {  	_ =	sfence.sel $0x180000  }
0x6c: {  	[bflag:$0x0] =	sbarrier.arrive $0xFFFF  }
0x6d: {  	_ =	strace $0x90000047  }
0x6e: {  	[bflag:$0x2] =	sbarrier.arrive $0xFFFF  }
0x6f: {  	p0 =	sne.s32 s0, $0x0;
	s0 =	rddreg [dreg:$0x2]  }
0x70: {  	s0 =	sadd.s32 @!p0 $0x100000, s0  }
0x71: {  	[sflag:s0] =	ssyncadd.tile.s32 @!p0 $0x1;
	_ =	shalt  }
.Lfunc_end2:
_tile_overlayer_lowered:
.L_overlay_start_2:
0x72: {  	(tag) =	ssettag $0x2  }
0x73: {  	s0 =	rddreg [dreg:$0x0];
	s2 =	stileid.u32  }
0x74: {  	s1 =	rddreg [dreg:$0x1];
	p0 =	sne.s32 s2, $0x0  }
0x75: {  	s3 =	rddreg [dreg:$0x2];
	[bflag:$0x3] =	sbarrier.arrive $0xFFFF;
	s2 =	simm.s32 @!p0 $0x1C04  }
0x76: {  	[timem:s3], [sflag:s2] =	dma.local @!p0 [hbm:s0], s1  }
0x77: {  	s0 =	simm.s32 @!p0 $0x4  }
0x78: {  	_ =	swait.ge @!p0 [sflag:s0], s1  }
0x79: {  	s1 =	ssub.s32 @!p0 $0x0, s1;
	[sflag:s0] =	ssyncset.done @!p0 $0x0  }
0x7a: {  	[sflag:s0] =	ssyncadd.s32 @!p0 s1  }
0x7b: {  	[bflag:$0x3] =	sbarrier.arrive $0xFFFF  }
0x7c: {  	_ =	shalt  }

</sc_bundles>
